<compile_context>
chip_gen: v7x
topology: tpu7x:2x2x1
jax: 0.10.2.dev20260603
libtpu: 0.0.44.dev20260713+nightly
codegen_flags: <defaults>
</compile_context>

<pallas_src>
import functools

import jax
import jax.numpy as jnp
from jax import lax
from jax.experimental import pallas as pl
from jax.experimental.pallas import tpu as pltpu
from jax.experimental.pallas import tpu_sc as plsc

N_ROWS = 100000
D = 128
B = 1024
NC = 2
NS = 16
L = 16
DH = D // NC
BLK = 128
NBLK = N_ROWS // BLK
TAIL = N_ROWS - NBLK * BLK
BLK_ITERS = (NBLK + NS - 1) // NS
SEG_PER_TILE = B // NS
X2_PER_W = B // (NC * NS)

_mesh = plsc.VectorSubcoreMesh(core_axis_name="c", subcore_axis_name="s")


@functools.partial(
    pl.kernel,
    out_type=jax.ShapeDtypeStruct((B, 2 * D), jnp.float32),
    mesh=_mesh,
    compiler_params=pltpu.CompilerParams(use_tc_tiling_on_sc=False,
                                         needs_layout_passes=False),
    scratch_types=[
        pltpu.VMEM((BLK,), jnp.int32),
        pltpu.VMEM((BLK,), jnp.int32),
        pltpu.VMEM((BLK,), jnp.int32),
        pltpu.VMEM((BLK, DH), jnp.float32),
        pltpu.VMEM((BLK, DH), jnp.float32),
        pltpu.VMEM((BLK, DH), jnp.float32),
        pltpu.VMEM((B,), jnp.float32),
        pltpu.VMEM((SEG_PER_TILE, DH), jnp.float32),
        pltpu.VMEM((SEG_PER_TILE, L), jnp.float32),
        pltpu.VMEM((NS, SEG_PER_TILE), jnp.float32),
        pltpu.VMEM((X2_PER_W, D), jnp.float32),
        pltpu.VMEM((TAIL,), jnp.int32),
        pltpu.VMEM((TAIL, DH), jnp.float32),
        pltpu.VMEM_SHARED((B, DH), jnp.float32),
        pltpu.VMEM_SHARED((NS, B), jnp.float32),
        pltpu.SemaphoreType.DMA,
        pltpu.SemaphoreType.DMA,
        pltpu.SemaphoreType.DMA,
        pltpu.SemaphoreType.DMA,
        pltpu.SemaphoreType.DMA,
        pltpu.SemaphoreType.DMA,
        pltpu.SemaphoreType.DMA,
        pltpu.SemaphoreType.DMA,
        pltpu.SemaphoreType.DMA,
        pltpu.SemaphoreType.DMA,
    ],
)
def _seg_mean_concat(x1_hbm, b1_hbm, x2_hbm, out_hbm,
                     idx_a, idx_b, idx_c, rows_a, rows_b, rows_c,
                     lcnt, accv, cntv, cstage, x2v, idx_t, rows_t,
                     acc_sh, cnt_sh, sia, sib, sic, sra, srb, src,
                     ssa, ssb, ssc, sx2):
    c = lax.axis_index("c")
    s = lax.axis_index("s")
    col0 = c * DH
    seg0 = s * SEG_PER_TILE

    zeros16 = jnp.zeros((L,), jnp.float32)

    idx_slots = (idx_a, idx_b, idx_c)
    row_slots = (rows_a, rows_b, rows_c)
    isem_slots = (sia, sib, sic)
    rsem_slots = (sra, srb, src)
    ssem_slots = (ssa, ssb, ssc)

    def _start_loads(bid, slot):
        start = bid * BLK
        pltpu.async_copy(b1_hbm.at[pl.ds(start, BLK)], idx_slots[slot],
                         isem_slots[slot])
        pltpu.async_copy(x1_hbm.at[pl.ds(start, BLK), pl.ds(col0, DH)],
                         row_slots[slot], rsem_slots[slot])

    def _wait_loads(bid, slot):
        start = bid * BLK
        pltpu.make_async_copy(b1_hbm.at[pl.ds(start, BLK)], idx_slots[slot],
                              isem_slots[slot]).wait()
        pltpu.make_async_copy(x1_hbm.at[pl.ds(start, BLK), pl.ds(col0, DH)],
                              row_slots[slot], rsem_slots[slot]).wait()

    def _start_scatter(slot):
        pltpu.async_copy(row_slots[slot], acc_sh.at[idx_slots[slot]],
                         ssem_slots[slot], add=True)

    def _wait_scatter(slot):
        pltpu.make_async_copy(row_slots[slot], acc_sh.at[idx_slots[slot]],
                              ssem_slots[slot]).wait()

    def _hist(idx_ref, nchunks):
        for g in range(nchunks):
            ids = idx_ref[pl.ds(g * L, L)]
            cnt_i, last = plsc.scan_count(ids)
            plsc.addupdate_scatter(lcnt, [ids], cnt_i.astype(jnp.float32),
                                   mask=last)

    w = c * NS + s
    r0 = w * X2_PER_W
    pltpu.async_copy(x2_hbm.at[pl.ds(r0, X2_PER_W)], x2v, sx2)
    _start_loads(s, 0)

    def _zero_cnt(r, _):
        lcnt[pl.ds(r * L, L)] = zeros16
        return 0

    lax.fori_loop(0, B // L, _zero_cnt, 0)

    def _zero_row(r, _):
        for cc in range(DH // L):
            accv[r, pl.ds(cc * L, L)] = zeros16
        return 0

    lax.fori_loop(0, SEG_PER_TILE, _zero_row, 0)
    pltpu.sync_copy(accv, acc_sh.at[pl.ds(seg0, SEG_PER_TILE)])
    plsc.subcore_barrier()

    def _triple(k3, _):
        for b in range(3):
            j3 = 3 * k3 + b
            bid = s + NS * j3
            bid_next = bid + NS
            nxt = (b + 1) % 3

            @pl.when(jnp.logical_and(bid_next < NBLK, bid >= s + 2 * NS))
            def _():
                _wait_scatter(nxt)

            @pl.when(bid_next < NBLK)
            def _():
                _start_loads(bid_next, nxt)

            @pl.when(bid < NBLK)
            def _():
                _wait_loads(bid, b)
                _start_scatter(b)
                _hist(idx_slots[b], BLK // L)

        return 0

    lax.fori_loop(0, (BLK_ITERS + 2) // 3, _triple, 0)
    _wait_scatter(0)
    _wait_scatter(1)
    _wait_scatter(2)

    @pl.when(s == NS - 1)
    def _tail():
        tstart = NBLK * BLK
        pltpu.sync_copy(b1_hbm.at[pl.ds(tstart, TAIL)], idx_t)
        pltpu.sync_copy(x1_hbm.at[pl.ds(tstart, TAIL), pl.ds(col0, DH)],
                        rows_t)
        pltpu.sync_copy(rows_t, acc_sh.at[idx_t], add=True)
        _hist(idx_t, TAIL // L)

    pltpu.sync_copy(lcnt, cnt_sh.at[s])
    pltpu.make_async_copy(x2_hbm.at[pl.ds(r0, X2_PER_W)], x2v, sx2).wait()
    pltpu.sync_copy(x2v, out_hbm.at[pl.ds(r0, X2_PER_W), pl.ds(D, D)])
    plsc.subcore_barrier()

    pltpu.sync_copy(acc_sh.at[pl.ds(seg0, SEG_PER_TILE)], accv)
    pltpu.sync_copy(cnt_sh.at[:, pl.ds(seg0, SEG_PER_TILE)], cstage)

    lanes = lax.iota(jnp.int32, L)
    for g in range(SEG_PER_TILE // L):
        tot = cstage[0, pl.ds(g * L, L)]
        for r in range(1, NS):
            tot = tot + cstage[r, pl.ds(g * L, L)]
        rec = 1.0 / jnp.maximum(tot, 1.0)
        rows_idx = g * L + lanes
        for j in range(L):
            cols_idx = jnp.full((L,), j, jnp.int32)
            plsc.store_scatter(cntv, [rows_idx, cols_idx], rec)

    def _finalize_row(r, _):
        rec = cntv[r, :]
        for cc in range(DH // L):
            accv[r, pl.ds(cc * L, L)] = accv[r, pl.ds(cc * L, L)] * rec
        return 0

    lax.fori_loop(0, SEG_PER_TILE, _finalize_row, 0)
    pltpu.sync_copy(accv, out_hbm.at[pl.ds(seg0, SEG_PER_TILE),
                                     pl.ds(col0, DH)])


def kernel(x1, batch1, x2):
    return _seg_mean_concat(x1.astype(jnp.float32),
                            batch1.astype(jnp.int32),
                            x2.astype(jnp.float32))

# --- scband reference (transcript-rebuilt; emitter-appended) ---
"""Pipeline reference for scband-tox21-concat-77025943487118 (READ-ONLY COPY).

The authoritative reference and input builder live on the scoring server;
editing this copy changes nothing except your own understanding.
"""

import jax, jax.numpy as jnp
import numpy as np

BATCH_SIZE = 1024

def setup_inputs(seed: int = 0) -> dict:
    key = jax.random.key(seed)
    k1, k2, k3 = jax.random.split(key, 3)
    x1 = jax.random.normal(k1, (100000, 128), dtype=jnp.float32)
    batch1 = jnp.sort(jax.random.randint(k2, (100000,), 0, BATCH_SIZE, dtype=jnp.int64))
    x2 = jax.random.normal(k3, (BATCH_SIZE, 128), dtype=jnp.float32)
    return {"x1": x1, "batch1": batch1, "x2": x2}

def reference(x1, batch1, x2):
    # Tox21Concat.forward with two values:
    #  - value 1 has x.size(0) != batch_size -> apply global_mean_pool(x1, batch1)
    #  - value 2 already has batch_size rows -> passed through
    # then concat along dim=1.
    sums = jax.ops.segment_sum(x1, batch1, num_segments=BATCH_SIZE)
    counts = jax.ops.segment_sum(jnp.ones((x1.shape[0],), dtype=x1.dtype), batch1, num_segments=BATCH_SIZE)
    pooled = sums / jnp.maximum(counts, 1.0)[:, None]
    out = jnp.concatenate([pooled, x2], axis=1)
    return out

if __name__ == "__main__":
    import jax
    _d = setup_inputs()
    print(jax.jit(kernel)(*tuple(_d.values())))

</pallas_src>

<mosaic_0001>
#map = affine_map<(d0, d1) -> (0, 0)>
#map1 = affine_map<(d0, d1) -> (0)>
module attributes {stable_mosaic.version = 14 : i64} {
  func.func @_seg_mean_concat(%arg0: i32, %arg1: i32, %arg2: memref<100000x128xf32, #tpu.memory_space<hbm>>, %arg3: memref<100000xi32, #tpu.memory_space<hbm>>, %arg4: memref<1024x128xf32, #tpu.memory_space<hbm>>, %arg5: memref<1024x256xf32, #tpu.memory_space<hbm>>, %arg6: memref<128xi32, #tpu.memory_space<vmem>>, %arg7: memref<128xi32, #tpu.memory_space<vmem>>, %arg8: memref<128xi32, #tpu.memory_space<vmem>>, %arg9: memref<128x64xf32, #tpu.memory_space<vmem>>, %arg10: memref<128x64xf32, #tpu.memory_space<vmem>>, %arg11: memref<128x64xf32, #tpu.memory_space<vmem>>, %arg12: memref<1024xf32, #tpu.memory_space<vmem>>, %arg13: memref<64x64xf32, #tpu.memory_space<vmem>>, %arg14: memref<64x16xf32, #tpu.memory_space<vmem>>, %arg15: memref<16x64xf32, #tpu.memory_space<vmem>>, %arg16: memref<32x128xf32, #tpu.memory_space<vmem>>, %arg17: memref<32xi32, #tpu.memory_space<vmem>>, %arg18: memref<32x64xf32, #tpu.memory_space<vmem>>, %arg19: memref<1024x64xf32, #tpu.memory_space<vmem_shared>>, %arg20: memref<16x1024xf32, #tpu.memory_space<vmem_shared>>, %arg21: memref<!tpu.dma_semaphore, #tpu.memory_space<semaphore_mem>>, %arg22: memref<!tpu.dma_semaphore, #tpu.memory_space<semaphore_mem>>, %arg23: memref<!tpu.dma_semaphore, #tpu.memory_space<semaphore_mem>>, %arg24: memref<!tpu.dma_semaphore, #tpu.memory_space<semaphore_mem>>, %arg25: memref<!tpu.dma_semaphore, #tpu.memory_space<semaphore_mem>>, %arg26: memref<!tpu.dma_semaphore, #tpu.memory_space<semaphore_mem>>, %arg27: memref<!tpu.dma_semaphore, #tpu.memory_space<semaphore_mem>>, %arg28: memref<!tpu.dma_semaphore, #tpu.memory_space<semaphore_mem>>, %arg29: memref<!tpu.dma_semaphore, #tpu.memory_space<semaphore_mem>>, %arg30: memref<!tpu.dma_semaphore, #tpu.memory_space<semaphore_mem>>) attributes {dimension_semantics = [#tpu.dimension_semantics<core_parallel>, #tpu.dimension_semantics<subcore_parallel>], iteration_bounds = array<i64: 2, 16>, scalar_prefetch = 0 : i64, scratch_operands = 25 : i64, tpu.core_type = #tpu.core_type<sc_vector_subcore>, window_params = [{transform_indices = #map}, {transform_indices = #map1}, {transform_indices = #map}, {transform_indices = #map}]} {
    %mul3A = arith.constant 64 : i32
    %mul3A_0 = arith.muli %arg0, %mul3A : i32
    %mul3A_1 = arith.constant 64 : i32
    %mul3A_2 = arith.muli %arg1, %mul3A_1 : i32
    %broadcast_in_dim3A = arith.constant 0.000000e+00 : f32
    %broadcast_in_dim3A_3 = vector.broadcast %broadcast_in_dim3A : f32 to vector<16xf32>
    %mul3A_4 = arith.constant 16 : i32
    %mul3A_5 = arith.muli %arg0, %mul3A_4 : i32
    %add3A = arith.addi %mul3A_5, %arg1 : i32
    %mul3A_6 = arith.constant 32 : i32
    %mul3A_7 = arith.muli %add3A, %mul3A_6 : i32
    %dma_start3A = arith.constant 0 : i32
    %dma_start3A_8 = tpu.memref_slice %arg4[%mul3A_7, %dma_start3A] : memref<1024x128xf32, #tpu.memory_space<hbm>> -> memref<32x128xf32, #tpu.memory_space<hbm>>
    %dma_start3A_9 = arith.constant 0 : i32
    %dma_start3A_10 = tpu.memref_slice %arg4[%mul3A_7, %dma_start3A_9] : memref<1024x128xf32, #tpu.memory_space<hbm>> -> memref<32x128xf32, #tpu.memory_space<hbm>>
    tpu.enqueue_dma source(%dma_start3A_10 : memref<32x128xf32, #tpu.memory_space<hbm>>) target(%arg16 : memref<32x128xf32, #tpu.memory_space<vmem>>) target_semaphore(%arg30 : memref<!tpu.dma_semaphore, #tpu.memory_space<semaphore_mem>>)
    %mul3A_11 = arith.constant 128 : i32
    %mul3A_12 = arith.muli %arg1, %mul3A_11 : i32
    %dma_start3A_13 = tpu.memref_slice %arg3[%mul3A_12] : memref<100000xi32, #tpu.memory_space<hbm>> -> memref<128xi32, #tpu.memory_space<hbm>>
    %dma_start3A_14 = tpu.memref_slice %arg3[%mul3A_12] : memref<100000xi32, #tpu.memory_space<hbm>> -> memref<128xi32, #tpu.memory_space<hbm>>
    tpu.enqueue_dma source(%dma_start3A_14 : memref<128xi32, #tpu.memory_space<hbm>>) target(%arg6 : memref<128xi32, #tpu.memory_space<vmem>>) target_semaphore(%arg21 : memref<!tpu.dma_semaphore, #tpu.memory_space<semaphore_mem>>)
    %dma_start3A_15 = tpu.memref_slice %arg2[%mul3A_12, %mul3A_0] : memref<100000x128xf32, #tpu.memory_space<hbm>> -> memref<128x64xf32, #tpu.memory_space<hbm>>
    %dma_start3A_16 = tpu.memref_slice %arg2[%mul3A_12, %mul3A_0] : memref<100000x128xf32, #tpu.memory_space<hbm>> -> memref<128x64xf32, #tpu.memory_space<hbm>>
    tpu.enqueue_dma source(%dma_start3A_16 : memref<128x64xf32, #tpu.memory_space<hbm>>) target(%arg9 : memref<128x64xf32, #tpu.memory_space<vmem>>) target_semaphore(%arg24 : memref<!tpu.dma_semaphore, #tpu.memory_space<semaphore_mem>>)
    %scan3A = arith.constant 0 : i32
    %scan3A_17 = arith.constant 0 : i32
    %scan3A_18 = arith.constant 64 : i32
    %scan3A_19 = arith.addi %scan3A_17, %scan3A_18 : i32
    %scan3A_20 = arith.constant 1 : i32
    %scan3A_21 = scf.for %scan3A_536 = %scan3A_17 to %scan3A_19 step %scan3A_20 iter_args(%scan3A_537 = %scan3A) -> (i32)  : i32 {
      %mul3A_538 = arith.constant 16 : i32
      %mul3A_539 = arith.muli %scan3A_536, %mul3A_538 : i32
      %swap3A = arith.index_cast %mul3A_539 : i32 to index
      %swap3A_540 = tpu.vector_load %arg12[%swap3A] {strides = array<i32>} : memref<1024xf32, #tpu.memory_space<vmem>>, vector<16xf32>,
      tpu.vector_store %arg12[%swap3A], %broadcast_in_dim3A_3 {strides = array<i32>} : memref<1024xf32, #tpu.memory_space<vmem>>, vector<16xf32>,
      %scan3A_541 = arith.constant 0 : i32
      scf.yield %scan3A_541 : i32
    }
    %scan3A_22 = arith.constant 64 : i32
    %scan3A_23 = arith.constant 0 : i32
    %scan3A_24 = arith.constant 0 : i32
    %scan3A_25 = arith.constant 64 : i32
    %scan3A_26 = arith.addi %scan3A_24, %scan3A_25 : i32
    %scan3A_27 = arith.constant 1 : i32
    %scan3A_28 = scf.for %scan3A_536 = %scan3A_24 to %scan3A_26 step %scan3A_27 iter_args(%scan3A_537 = %scan3A_23) -> (i32)  : i32 {
      %swap3A = arith.index_cast %scan3A_536 : i32 to index
      %swap3A_538 = arith.constant 0 : index
      %swap3A_539 = tpu.vector_load %arg13[%swap3A, %swap3A_538] {strides = array<i32>} : memref<64x64xf32, #tpu.memory_space<vmem>>, vector<16xf32>,
      tpu.vector_store %arg13[%swap3A, %swap3A_538], %broadcast_in_dim3A_3 {strides = array<i32>} : memref<64x64xf32, #tpu.memory_space<vmem>>, vector<16xf32>,
      %swap3A_540 = arith.index_cast %scan3A_536 : i32 to index
      %swap3A_541 = arith.constant 16 : index
      %swap3A_542 = tpu.vector_load %arg13[%swap3A_540, %swap3A_541] {strides = array<i32>} : memref<64x64xf32, #tpu.memory_space<vmem>>, vector<16xf32>,
      tpu.vector_store %arg13[%swap3A_540, %swap3A_541], %broadcast_in_dim3A_3 {strides = array<i32>} : memref<64x64xf32, #tpu.memory_space<vmem>>, vector<16xf32>,
      %swap3A_543 = arith.index_cast %scan3A_536 : i32 to index
      %swap3A_544 = arith.constant 32 : index
      %swap3A_545 = tpu.vector_load %arg13[%swap3A_543, %swap3A_544] {strides = array<i32>} : memref<64x64xf32, #tpu.memory_space<vmem>>, vector<16xf32>,
      tpu.vector_store %arg13[%swap3A_543, %swap3A_544], %broadcast_in_dim3A_3 {strides = array<i32>} : memref<64x64xf32, #tpu.memory_space<vmem>>, vector<16xf32>,
      %swap3A_546 = arith.index_cast %scan3A_536 : i32 to index
      %swap3A_547 = arith.constant 48 : index
      %swap3A_548 = tpu.vector_load %arg13[%swap3A_546, %swap3A_547] {strides = array<i32>} : memref<64x64xf32, #tpu.memory_space<vmem>>, vector<16xf32>,
      tpu.vector_store %arg13[%swap3A_546, %swap3A_547], %broadcast_in_dim3A_3 {strides = array<i32>} : memref<64x64xf32, #tpu.memory_space<vmem>>, vector<16xf32>,
      %scan3A_549 = arith.constant 0 : i32
      scf.yield %scan3A_549 : i32
    }
    %scan3A_29 = arith.constant 64 : i32
    "tpu.region"() ({
      %run_scoped3A = tpu.sem_alloc : memref<!tpu.dma_semaphore, #tpu.memory_space<semaphore_mem>>
      %dma_start3A_536 = arith.constant 0 : i32
      %dma_start3A_537 = tpu.memref_slice %arg19[%mul3A_2, %dma_start3A_536] : memref<1024x64xf32, #tpu.memory_space<vmem_shared>> -> memref<64x64xf32, #tpu.memory_space<vmem_shared>>
      %dma_start3A_538 = arith.constant 0 : i32
      %dma_start3A_539 = tpu.memref_slice %arg19[%mul3A_2, %dma_start3A_538] : memref<1024x64xf32, #tpu.memory_space<vmem_shared>> -> memref<64x64xf32, #tpu.memory_space<vmem_shared>>
      tpu.enqueue_dma source(%arg13 : memref<64x64xf32, #tpu.memory_space<vmem>>) target(%dma_start3A_539 : memref<64x64xf32, #tpu.memory_space<vmem_shared>>) target_semaphore(%run_scoped3A : memref<!tpu.dma_semaphore, #tpu.memory_space<semaphore_mem>>)
      %dma_wait3A_540 = arith.constant 0 : i32
      %dma_wait3A_541 = tpu.memref_slice %arg19[%mul3A_2, %dma_wait3A_540] : memref<1024x64xf32, #tpu.memory_space<vmem_shared>> -> memref<64x64xf32, #tpu.memory_space<vmem_shared>>
      %dma_wait3A_542 = arith.constant 0 : i32
      %dma_wait3A_543 = tpu.memref_slice %arg19[%mul3A_2, %dma_wait3A_542] : memref<1024x64xf32, #tpu.memory_space<vmem_shared>> -> memref<64x64xf32, #tpu.memory_space<vmem_shared>>
      tpu.wait_dma2 semaphore(%run_scoped3A : memref<!tpu.dma_semaphore, #tpu.memory_space<semaphore_mem>>) src(%arg13 : memref<64x64xf32, #tpu.memory_space<vmem>>) dst(%dma_wait3A_543 : memref<64x64xf32, #tpu.memory_space<vmem_shared>>)
      tpu.yield
    }) : () -> ()
    %barrier3A = arith.constant 0 : index
    tpu.barrier barrier_id(%barrier3A)
    %scan3A_30 = arith.constant 0 : i32
    %scan3A_31 = arith.constant 0 : i32
    %scan3A_32 = arith.constant 17 : i32
    %scan3A_33 = arith.addi %scan3A_31, %scan3A_32 : i32
    %scan3A_34 = arith.constant 1 : i32
    %scan3A_35 = scf.for %scan3A_536 = %scan3A_31 to %scan3A_33 step %scan3A_34 iter_args(%scan3A_537 = %scan3A_30) -> (i32)  : i32 {
      %mul3A_538 = arith.constant 3 : i32
      %mul3A_539 = arith.muli %mul3A_538, %scan3A_536 : i32
      %add3A_540 = arith.constant 0 : i32
      %add3A_541 = arith.addi %mul3A_539, %add3A_540 : i32
      %mul3A_542 = arith.constant 16 : i32
      %mul3A_543 = arith.muli %mul3A_542, %add3A_541 : i32
      %add3A_544 = arith.addi %arg1, %mul3A_543 : i32
      %add3A_545 = arith.constant 16 : i32
      %add3A_546 = arith.addi %add3A_544, %add3A_545 : i32
      %lt3A = arith.constant 781 : i32
      %lt3A_547 = arith.cmpi slt, %add3A_546, %lt3A : i32
      %add3A_548 = arith.constant 32 : i32
      %add3A_549 = arith.addi %arg1, %add3A_548 : i32
      %ge3A = arith.cmpi sge, %add3A_544, %add3A_549 : i32
      %and3A = arith.andi %lt3A_547, %ge3A : i1
      %convert_element_type3A_550 = arith.extui %and3A : i1 to i32
      %cond3A_551 = arith.constant 0 : i32
      %cond3A_552 = arith.cmpi ne, %convert_element_type3A_550, %cond3A_551 : i32
      scf.if %cond3A_552 {
        %dma_wait3A_620 = arith.constant 0 : i32
        %dma_wait3A_621 = arith.constant 0 : i32
        %dma_wait3A_622 = tpu.memref_slice %arg19[%dma_wait3A_620, %dma_wait3A_621] : memref<1024x64xf32, #tpu.memory_space<vmem_shared>> -> memref<1024x64xf32, #tpu.memory_space<vmem_shared>>
        tpu.wait_indirect_dma semaphore(%arg28 : memref<!tpu.dma_semaphore, #tpu.memory_space<semaphore_mem>>) src(%arg10 : memref<128x64xf32, #tpu.memory_space<vmem>>) dst(%dma_wait3A_622 : memref<1024x64xf32, #tpu.memory_space<vmem_shared>>)
      } else {
      }
      %lt3A_553 = arith.constant 781 : i32
      %lt3A_554 = arith.cmpi slt, %add3A_546, %lt3A_553 : i32
      %convert_element_type3A_555 = arith.extui %lt3A_554 : i1 to i32
      %cond3A_556 = arith.constant 0 : i32
      %cond3A_557 = arith.cmpi ne, %convert_element_type3A_555, %cond3A_556 : i32
      scf.if %cond3A_557 {
        %mul3A_620 = arith.constant 128 : i32
        %mul3A_621 = arith.muli %add3A_546, %mul3A_620 : i32
        %dma_start3A_622 = tpu.memref_slice %arg3[%mul3A_621] : memref<100000xi32, #tpu.memory_space<hbm>> -> memref<128xi32, #tpu.memory_space<hbm>>
        %dma_start3A_623 = tpu.memref_slice %arg3[%mul3A_621] : memref<100000xi32, #tpu.memory_space<hbm>> -> memref<128xi32, #tpu.memory_space<hbm>>
        tpu.enqueue_dma source(%dma_start3A_623 : memref<128xi32, #tpu.memory_space<hbm>>) target(%arg7 : memref<128xi32, #tpu.memory_space<vmem>>) target_semaphore(%arg22 : memref<!tpu.dma_semaphore, #tpu.memory_space<semaphore_mem>>)
        %dma_start3A_624 = tpu.memref_slice %arg2[%mul3A_621, %mul3A_0] : memref<100000x128xf32, #tpu.memory_space<hbm>> -> memref<128x64xf32, #tpu.memory_space<hbm>>
        %dma_start3A_625 = tpu.memref_slice %arg2[%mul3A_621, %mul3A_0] : memref<100000x128xf32, #tpu.memory_space<hbm>> -> memref<128x64xf32, #tpu.memory_space<hbm>>
        tpu.enqueue_dma source(%dma_start3A_625 : memref<128x64xf32, #tpu.memory_space<hbm>>) target(%arg10 : memref<128x64xf32, #tpu.memory_space<vmem>>) target_semaphore(%arg25 : memref<!tpu.dma_semaphore, #tpu.memory_space<semaphore_mem>>)
      } else {
      }
      %lt3A_558 = arith.constant 781 : i32
      %lt3A_559 = arith.cmpi slt, %add3A_544, %lt3A_558 : i32
      %convert_element_type3A_560 = arith.extui %lt3A_559 : i1 to i32
      %cond3A_561 = arith.constant 0 : i32
      %cond3A_562 = arith.cmpi ne, %convert_element_type3A_560, %cond3A_561 : i32
      scf.if %cond3A_562 {
        %mul3A_620 = arith.constant 128 : i32
        %mul3A_621 = arith.muli %add3A_544, %mul3A_620 : i32
        %dma_wait3A_622 = tpu.memref_slice %arg3[%mul3A_621] : memref<100000xi32, #tpu.memory_space<hbm>> -> memref<128xi32, #tpu.memory_space<hbm>>
        %dma_wait3A_623 = tpu.memref_slice %arg3[%mul3A_621] : memref<100000xi32, #tpu.memory_space<hbm>> -> memref<128xi32, #tpu.memory_space<hbm>>
        tpu.wait_dma2 semaphore(%arg21 : memref<!tpu.dma_semaphore, #tpu.memory_space<semaphore_mem>>) src(%dma_wait3A_623 : memref<128xi32, #tpu.memory_space<hbm>>) dst(%arg6 : memref<128xi32, #tpu.memory_space<vmem>>)
        %dma_wait3A_624 = tpu.memref_slice %arg2[%mul3A_621, %mul3A_0] : memref<100000x128xf32, #tpu.memory_space<hbm>> -> memref<128x64xf32, #tpu.memory_space<hbm>>
        %dma_wait3A_625 = tpu.memref_slice %arg2[%mul3A_621, %mul3A_0] : memref<100000x128xf32, #tpu.memory_space<hbm>> -> memref<128x64xf32, #tpu.memory_space<hbm>>
        tpu.wait_dma2 semaphore(%arg24 : memref<!tpu.dma_semaphore, #tpu.memory_space<semaphore_mem>>) src(%dma_wait3A_625 : memref<128x64xf32, #tpu.memory_space<hbm>>) dst(%arg9 : memref<128x64xf32, #tpu.memory_space<vmem>>)
        %dma_start3A_626 = arith.constant 0 : i32
        %dma_start3A_627 = arith.constant 0 : i32
        %dma_start3A_628 = tpu.memref_slice %arg19[%dma_start3A_626, %dma_start3A_627] : memref<1024x64xf32, #tpu.memory_space<vmem_shared>> -> memref<1024x64xf32, #tpu.memory_space<vmem_shared>>
        tpu.enqueue_indirect_dma source(%arg9 : memref<128x64xf32, #tpu.memory_space<vmem>>) target(%dma_start3A_628 : memref<1024x64xf32, #tpu.memory_space<vmem_shared>>) offsets(%arg6 : memref<128xi32, #tpu.memory_space<vmem>>) semaphore(%arg27 : memref<!tpu.dma_semaphore, #tpu.memory_space<semaphore_mem>>) {add = true}
        %get3A_629 = arith.constant 0 : index
        %get3A_630 = tpu.vector_load %arg6[%get3A_629] {strides = array<i32>} : memref<128xi32, #tpu.memory_space<vmem>>, vector<16xi32>,
        %broadcast_in_dim3A_631 = arith.constant true
        %broadcast_in_dim3A_632 = vector.broadcast %broadcast_in_dim3A_631 : i1 to vector<16xi1>
        %unique3A, %unique3A_633 = tpu.scan_count mask(%broadcast_in_dim3A_632 : vector<16xi1>) value(%get3A_630 : vector<16xi32>) : vector<16xi1>, vector<16xi32>
        %convert_element_type3A_634 = arith.sitofp %unique3A_633 : vector<16xi32> to vector<16xf32>
        tpu.vector_store_idx %arg12[%get3A_630], %convert_element_type3A_634 masked %unique3A {add = true} : memref<1024xf32, #tpu.memory_space<vmem>>[vector<16xi32>], vector<16xf32>, vector<16xi1>
        %get3A_635 = arith.constant 16 : index
        %get3A_636 = tpu.vector_load %arg6[%get3A_635] {strides = array<i32>} : memref<128xi32, #tpu.memory_space<vmem>>, vector<16xi32>,
        %broadcast_in_dim3A_637 = arith.constant true
        %broadcast_in_dim3A_638 = vector.broadcast %broadcast_in_dim3A_637 : i1 to vector<16xi1>
        %unique3A_639, %unique3A_640 = tpu.scan_count mask(%broadcast_in_dim3A_638 : vector<16xi1>) value(%get3A_636 : vector<16xi32>) : vector<16xi1>, vector<16xi32>
        %convert_element_type3A_641 = arith.sitofp %unique3A_640 : vector<16xi32> to vector<16xf32>
        tpu.vector_store_idx %arg12[%get3A_636], %convert_element_type3A_641 masked %unique3A_639 {add = true} : memref<1024xf32, #tpu.memory_space<vmem>>[vector<16xi32>], vector<16xf32>, vector<16xi1>
        %get3A_642 = arith.constant 32 : index
        %get3A_643 = tpu.vector_load %arg6[%get3A_642] {strides = array<i32>} : memref<128xi32, #tpu.memory_space<vmem>>, vector<16xi32>,
        %broadcast_in_dim3A_644 = arith.constant true
        %broadcast_in_dim3A_645 = vector.broadcast %broadcast_in_dim3A_644 : i1 to vector<16xi1>
        %unique3A_646, %unique3A_647 = tpu.scan_count mask(%broadcast_in_dim3A_645 : vector<16xi1>) value(%get3A_643 : vector<16xi32>) : vector<16xi1>, vector<16xi32>
        %convert_element_type3A_648 = arith.sitofp %unique3A_647 : vector<16xi32> to vector<16xf32>
        tpu.vector_store_idx %arg12[%get3A_643], %convert_element_type3A_648 masked %unique3A_646 {add = true} : memref<1024xf32, #tpu.memory_space<vmem>>[vector<16xi32>], vector<16xf32>, vector<16xi1>
        %get3A_649 = arith.constant 48 : index
        %get3A_650 = tpu.vector_load %arg6[%get3A_649] {strides = array<i32>} : memref<128xi32, #tpu.memory_space<vmem>>, vector<16xi32>,
        %broadcast_in_dim3A_651 = arith.constant true
        %broadcast_in_dim3A_652 = vector.broadcast %broadcast_in_dim3A_651 : i1 to vector<16xi1>
        %unique3A_653, %unique3A_654 = tpu.scan_count mask(%broadcast_in_dim3A_652 : vector<16xi1>) value(%get3A_650 : vector<16xi32>) : vector<16xi1>, vector<16xi32>
        %convert_element_type3A_655 = arith.sitofp %unique3A_654 : vector<16xi32> to vector<16xf32>
        tpu.vector_store_idx %arg12[%get3A_650], %convert_element_type3A_655 masked %unique3A_653 {add = true} : memref<1024xf32, #tpu.memory_space<vmem>>[vector<16xi32>], vector<16xf32>, vector<16xi1>
        %get3A_656 = arith.constant 64 : index
        %get3A_657 = tpu.vector_load %arg6[%get3A_656] {strides = array<i32>} : memref<128xi32, #tpu.memory_space<vmem>>, vector<16xi32>,
        %broadcast_in_dim3A_658 = arith.constant true
        %broadcast_in_dim3A_659 = vector.broadcast %broadcast_in_dim3A_658 : i1 to vector<16xi1>
        %unique3A_660, %unique3A_661 = tpu.scan_count mask(%broadcast_in_dim3A_659 : vector<16xi1>) value(%get3A_657 : vector<16xi32>) : vector<16xi1>, vector<16xi32>
        %convert_element_type3A_662 = arith.sitofp %unique3A_661 : vector<16xi32> to vector<16xf32>
        tpu.vector_store_idx %arg12[%get3A_657], %convert_element_type3A_662 masked %unique3A_660 {add = true} : memref<1024xf32, #tpu.memory_space<vmem>>[vector<16xi32>], vector<16xf32>, vector<16xi1>
        %get3A_663 = arith.constant 80 : index
        %get3A_664 = tpu.vector_load %arg6[%get3A_663] {strides = array<i32>} : memref<128xi32, #tpu.memory_space<vmem>>, vector<16xi32>,
        %broadcast_in_dim3A_665 = arith.constant true
        %broadcast_in_dim3A_666 = vector.broadcast %broadcast_in_dim3A_665 : i1 to vector<16xi1>
        %unique3A_667, %unique3A_668 = tpu.scan_count mask(%broadcast_in_dim3A_666 : vector<16xi1>) value(%get3A_664 : vector<16xi32>) : vector<16xi1>, vector<16xi32>
        %convert_element_type3A_669 = arith.sitofp %unique3A_668 : vector<16xi32> to vector<16xf32>
        tpu.vector_store_idx %arg12[%get3A_664], %convert_element_type3A_669 masked %unique3A_667 {add = true} : memref<1024xf32, #tpu.memory_space<vmem>>[vector<16xi32>], vector<16xf32>, vector<16xi1>
        %get3A_670 = arith.constant 96 : index
        %get3A_671 = tpu.vector_load %arg6[%get3A_670] {strides = array<i32>} : memref<128xi32, #tpu.memory_space<vmem>>, vector<16xi32>,
        %broadcast_in_dim3A_672 = arith.constant true
        %broadcast_in_dim3A_673 = vector.broadcast %broadcast_in_dim3A_672 : i1 to vector<16xi1>
        %unique3A_674, %unique3A_675 = tpu.scan_count mask(%broadcast_in_dim3A_673 : vector<16xi1>) value(%get3A_671 : vector<16xi32>) : vector<16xi1>, vector<16xi32>
        %convert_element_type3A_676 = arith.sitofp %unique3A_675 : vector<16xi32> to vector<16xf32>
        tpu.vector_store_idx %arg12[%get3A_671], %convert_element_type3A_676 masked %unique3A_674 {add = true} : memref<1024xf32, #tpu.memory_space<vmem>>[vector<16xi32>], vector<16xf32>, vector<16xi1>
        %get3A_677 = arith.constant 112 : index
        %get3A_678 = tpu.vector_load %arg6[%get3A_677] {strides = array<i32>} : memref<128xi32, #tpu.memory_space<vmem>>, vector<16xi32>,
        %broadcast_in_dim3A_679 = arith.constant true
        %broadcast_in_dim3A_680 = vector.broadcast %broadcast_in_dim3A_679 : i1 to vector<16xi1>
        %unique3A_681, %unique3A_682 = tpu.scan_count mask(%broadcast_in_dim3A_680 : vector<16xi1>) value(%get3A_678 : vector<16xi32>) : vector<16xi1>, vector<16xi32>
        %convert_element_type3A_683 = arith.sitofp %unique3A_682 : vector<16xi32> to vector<16xf32>
        tpu.vector_store_idx %arg12[%get3A_678], %convert_element_type3A_683 masked %unique3A_681 {add = true} : memref<1024xf32, #tpu.memory_space<vmem>>[vector<16xi32>], vector<16xf32>, vector<16xi1>
      } else {
      }
      %mul3A_563 = arith.constant 3 : i32
      %mul3A_564 = arith.muli %mul3A_563, %scan3A_536 : i32
      %add3A_565 = arith.constant 1 : i32
      %add3A_566 = arith.addi %mul3A_564, %add3A_565 : i32
      %mul3A_567 = arith.constant 16 : i32
      %mul3A_568 = arith.muli %mul3A_567, %add3A_566 : i32
      %add3A_569 = arith.addi %arg1, %mul3A_568 : i32
      %add3A_570 = arith.constant 16 : i32
      %add3A_571 = arith.addi %add3A_569, %add3A_570 : i32
      %lt3A_572 = arith.constant 781 : i32
      %lt3A_573 = arith.cmpi slt, %add3A_571, %lt3A_572 : i32
      %add3A_574 = arith.constant 32 : i32
      %add3A_575 = arith.addi %arg1, %add3A_574 : i32
      %ge3A_576 = arith.cmpi sge, %add3A_569, %add3A_575 : i32
      %and3A_577 = arith.andi %lt3A_573, %ge3A_576 : i1
      %convert_element_type3A_578 = arith.extui %and3A_577 : i1 to i32
      %cond3A_579 = arith.constant 0 : i32
      %cond3A_580 = arith.cmpi ne, %convert_element_type3A_578, %cond3A_579 : i32
      scf.if %cond3A_580 {
        %dma_wait3A_620 = arith.constant 0 : i32
        %dma_wait3A_621 = arith.constant 0 : i32
        %dma_wait3A_622 = tpu.memref_slice %arg19[%dma_wait3A_620, %dma_wait3A_621] : memref<1024x64xf32, #tpu.memory_space<vmem_shared>> -> memref<1024x64xf32, #tpu.memory_space<vmem_shared>>
        tpu.wait_indirect_dma semaphore(%arg29 : memref<!tpu.dma_semaphore, #tpu.memory_space<semaphore_mem>>) src(%arg11 : memref<128x64xf32, #tpu.memory_space<vmem>>) dst(%dma_wait3A_622 : memref<1024x64xf32, #tpu.memory_space<vmem_shared>>)
      } else {
      }
      %lt3A_581 = arith.constant 781 : i32
      %lt3A_582 = arith.cmpi slt, %add3A_571, %lt3A_581 : i32
      %convert_element_type3A_583 = arith.extui %lt3A_582 : i1 to i32
      %cond3A_584 = arith.constant 0 : i32
      %cond3A_585 = arith.cmpi ne, %convert_element_type3A_583, %cond3A_584 : i32
      scf.if %cond3A_585 {
        %mul3A_620 = arith.constant 128 : i32
        %mul3A_621 = arith.muli %add3A_571, %mul3A_620 : i32
        %dma_start3A_622 = tpu.memref_slice %arg3[%mul3A_621] : memref<100000xi32, #tpu.memory_space<hbm>> -> memref<128xi32, #tpu.memory_space<hbm>>
        %dma_start3A_623 = tpu.memref_slice %arg3[%mul3A_621] : memref<100000xi32, #tpu.memory_space<hbm>> -> memref<128xi32, #tpu.memory_space<hbm>>
        tpu.enqueue_dma source(%dma_start3A_623 : memref<128xi32, #tpu.memory_space<hbm>>) target(%arg8 : memref<128xi32, #tpu.memory_space<vmem>>) target_semaphore(%arg23 : memref<!tpu.dma_semaphore, #tpu.memory_space<semaphore_mem>>)
        %dma_start3A_624 = tpu.memref_slice %arg2[%mul3A_621, %mul3A_0] : memref<100000x128xf32, #tpu.memory_space<hbm>> -> memref<128x64xf32, #tpu.memory_space<hbm>>
        %dma_start3A_625 = tpu.memref_slice %arg2[%mul3A_621, %mul3A_0] : memref<100000x128xf32, #tpu.memory_space<hbm>> -> memref<128x64xf32, #tpu.memory_space<hbm>>
        tpu.enqueue_dma source(%dma_start3A_625 : memref<128x64xf32, #tpu.memory_space<hbm>>) target(%arg11 : memref<128x64xf32, #tpu.memory_space<vmem>>) target_semaphore(%arg26 : memref<!tpu.dma_semaphore, #tpu.memory_space<semaphore_mem>>)
      } else {
      }
      %lt3A_586 = arith.constant 781 : i32
      %lt3A_587 = arith.cmpi slt, %add3A_569, %lt3A_586 : i32
      %convert_element_type3A_588 = arith.extui %lt3A_587 : i1 to i32
      %cond3A_589 = arith.constant 0 : i32
      %cond3A_590 = arith.cmpi ne, %convert_element_type3A_588, %cond3A_589 : i32
      scf.if %cond3A_590 {
        %mul3A_620 = arith.constant 128 : i32
        %mul3A_621 = arith.muli %add3A_569, %mul3A_620 : i32
        %dma_wait3A_622 = tpu.memref_slice %arg3[%mul3A_621] : memref<100000xi32, #tpu.memory_space<hbm>> -> memref<128xi32, #tpu.memory_space<hbm>>
        %dma_wait3A_623 = tpu.memref_slice %arg3[%mul3A_621] : memref<100000xi32, #tpu.memory_space<hbm>> -> memref<128xi32, #tpu.memory_space<hbm>>
        tpu.wait_dma2 semaphore(%arg22 : memref<!tpu.dma_semaphore, #tpu.memory_space<semaphore_mem>>) src(%dma_wait3A_623 : memref<128xi32, #tpu.memory_space<hbm>>) dst(%arg7 : memref<128xi32, #tpu.memory_space<vmem>>)
        %dma_wait3A_624 = tpu.memref_slice %arg2[%mul3A_621, %mul3A_0] : memref<100000x128xf32, #tpu.memory_space<hbm>> -> memref<128x64xf32, #tpu.memory_space<hbm>>
        %dma_wait3A_625 = tpu.memref_slice %arg2[%mul3A_621, %mul3A_0] : memref<100000x128xf32, #tpu.memory_space<hbm>> -> memref<128x64xf32, #tpu.memory_space<hbm>>
        tpu.wait_dma2 semaphore(%arg25 : memref<!tpu.dma_semaphore, #tpu.memory_space<semaphore_mem>>) src(%dma_wait3A_625 : memref<128x64xf32, #tpu.memory_space<hbm>>) dst(%arg10 : memref<128x64xf32, #tpu.memory_space<vmem>>)
        %dma_start3A_626 = arith.constant 0 : i32
        %dma_start3A_627 = arith.constant 0 : i32
        %dma_start3A_628 = tpu.memref_slice %arg19[%dma_start3A_626, %dma_start3A_627] : memref<1024x64xf32, #tpu.memory_space<vmem_shared>> -> memref<1024x64xf32, #tpu.memory_space<vmem_shared>>
        tpu.enqueue_indirect_dma source(%arg10 : memref<128x64xf32, #tpu.memory_space<vmem>>) target(%dma_start3A_628 : memref<1024x64xf32, #tpu.memory_space<vmem_shared>>) offsets(%arg7 : memref<128xi32, #tpu.memory_space<vmem>>) semaphore(%arg28 : memref<!tpu.dma_semaphore, #tpu.memory_space<semaphore_mem>>) {add = true}
        %get3A_629 = arith.constant 0 : index
        %get3A_630 = tpu.vector_load %arg7[%get3A_629] {strides = array<i32>} : memref<128xi32, #tpu.memory_space<vmem>>, vector<16xi32>,
        %broadcast_in_dim3A_631 = arith.constant true
        %broadcast_in_dim3A_632 = vector.broadcast %broadcast_in_dim3A_631 : i1 to vector<16xi1>
        %unique3A, %unique3A_633 = tpu.scan_count mask(%broadcast_in_dim3A_632 : vector<16xi1>) value(%get3A_630 : vector<16xi32>) : vector<16xi1>, vector<16xi32>
        %convert_element_type3A_634 = arith.sitofp %unique3A_633 : vector<16xi32> to vector<16xf32>
        tpu.vector_store_idx %arg12[%get3A_630], %convert_element_type3A_634 masked %unique3A {add = true} : memref<1024xf32, #tpu.memory_space<vmem>>[vector<16xi32>], vector<16xf32>, vector<16xi1>
        %get3A_635 = arith.constant 16 : index
        %get3A_636 = tpu.vector_load %arg7[%get3A_635] {strides = array<i32>} : memref<128xi32, #tpu.memory_space<vmem>>, vector<16xi32>,
        %broadcast_in_dim3A_637 = arith.constant true
        %broadcast_in_dim3A_638 = vector.broadcast %broadcast_in_dim3A_637 : i1 to vector<16xi1>
        %unique3A_639, %unique3A_640 = tpu.scan_count mask(%broadcast_in_dim3A_638 : vector<16xi1>) value(%get3A_636 : vector<16xi32>) : vector<16xi1>, vector<16xi32>
        %convert_element_type3A_641 = arith.sitofp %unique3A_640 : vector<16xi32> to vector<16xf32>
        tpu.vector_store_idx %arg12[%get3A_636], %convert_element_type3A_641 masked %unique3A_639 {add = true} : memref<1024xf32, #tpu.memory_space<vmem>>[vector<16xi32>], vector<16xf32>, vector<16xi1>
        %get3A_642 = arith.constant 32 : index
        %get3A_643 = tpu.vector_load %arg7[%get3A_642] {strides = array<i32>} : memref<128xi32, #tpu.memory_space<vmem>>, vector<16xi32>,
        %broadcast_in_dim3A_644 = arith.constant true
        %broadcast_in_dim3A_645 = vector.broadcast %broadcast_in_dim3A_644 : i1 to vector<16xi1>
        %unique3A_646, %unique3A_647 = tpu.scan_count mask(%broadcast_in_dim3A_645 : vector<16xi1>) value(%get3A_643 : vector<16xi32>) : vector<16xi1>, vector<16xi32>
        %convert_element_type3A_648 = arith.sitofp %unique3A_647 : vector<16xi32> to vector<16xf32>
        tpu.vector_store_idx %arg12[%get3A_643], %convert_element_type3A_648 masked %unique3A_646 {add = true} : memref<1024xf32, #tpu.memory_space<vmem>>[vector<16xi32>], vector<16xf32>, vector<16xi1>
        %get3A_649 = arith.constant 48 : index
        %get3A_650 = tpu.vector_load %arg7[%get3A_649] {strides = array<i32>} : memref<128xi32, #tpu.memory_space<vmem>>, vector<16xi32>,
        %broadcast_in_dim3A_651 = arith.constant true
        %broadcast_in_dim3A_652 = vector.broadcast %broadcast_in_dim3A_651 : i1 to vector<16xi1>
        %unique3A_653, %unique3A_654 = tpu.scan_count mask(%broadcast_in_dim3A_652 : vector<16xi1>) value(%get3A_650 : vector<16xi32>) : vector<16xi1>, vector<16xi32>
        %convert_element_type3A_655 = arith.sitofp %unique3A_654 : vector<16xi32> to vector<16xf32>
        tpu.vector_store_idx %arg12[%get3A_650], %convert_element_type3A_655 masked %unique3A_653 {add = true} : memref<1024xf32, #tpu.memory_space<vmem>>[vector<16xi32>], vector<16xf32>, vector<16xi1>
        %get3A_656 = arith.constant 64 : index
        %get3A_657 = tpu.vector_load %arg7[%get3A_656] {strides = array<i32>} : memref<128xi32, #tpu.memory_space<vmem>>, vector<16xi32>,
        %broadcast_in_dim3A_658 = arith.constant true
        %broadcast_in_dim3A_659 = vector.broadcast %broadcast_in_dim3A_658 : i1 to vector<16xi1>
        %unique3A_660, %unique3A_661 = tpu.scan_count mask(%broadcast_in_dim3A_659 : vector<16xi1>) value(%get3A_657 : vector<16xi32>) : vector<16xi1>, vector<16xi32>
        %convert_element_type3A_662 = arith.sitofp %unique3A_661 : vector<16xi32> to vector<16xf32>
        tpu.vector_store_idx %arg12[%get3A_657], %convert_element_type3A_662 masked %unique3A_660 {add = true} : memref<1024xf32, #tpu.memory_space<vmem>>[vector<16xi32>], vector<16xf32>, vector<16xi1>
        %get3A_663 = arith.constant 80 : index
        %get3A_664 = tpu.vector_load %arg7[%get3A_663] {strides = array<i32>} : memref<128xi32, #tpu.memory_space<vmem>>, vector<16xi32>,
        %broadcast_in_dim3A_665 = arith.constant true
        %broadcast_in_dim3A_666 = vector.broadcast %broadcast_in_dim3A_665 : i1 to vector<16xi1>
        %unique3A_667, %unique3A_668 = tpu.scan_count mask(%broadcast_in_dim3A_666 : vector<16xi1>) value(%get3A_664 : vector<16xi32>) : vector<16xi1>, vector<16xi32>
        %convert_element_type3A_669 = arith.sitofp %unique3A_668 : vector<16xi32> to vector<16xf32>
        tpu.vector_store_idx %arg12[%get3A_664], %convert_element_type3A_669 masked %unique3A_667 {add = true} : memref<1024xf32, #tpu.memory_space<vmem>>[vector<16xi32>], vector<16xf32>, vector<16xi1>
        %get3A_670 = arith.constant 96 : index
        %get3A_671 = tpu.vector_load %arg7[%get3A_670] {strides = array<i32>} : memref<128xi32, #tpu.memory_space<vmem>>, vector<16xi32>,
        %broadcast_in_dim3A_672 = arith.constant true
        %broadcast_in_dim3A_673 = vector.broadcast %broadcast_in_dim3A_672 : i1 to vector<16xi1>
        %unique3A_674, %unique3A_675 = tpu.scan_count mask(%broadcast_in_dim3A_673 : vector<16xi1>) value(%get3A_671 : vector<16xi32>) : vector<16xi1>, vector<16xi32>
        %convert_element_type3A_676 = arith.sitofp %unique3A_675 : vector<16xi32> to vector<16xf32>
        tpu.vector_store_idx %arg12[%get3A_671], %convert_element_type3A_676 masked %unique3A_674 {add = true} : memref<1024xf32, #tpu.memory_space<vmem>>[vector<16xi32>], vector<16xf32>, vector<16xi1>
        %get3A_677 = arith.constant 112 : index
        %get3A_678 = tpu.vector_load %arg7[%get3A_677] {strides = array<i32>} : memref<128xi32, #tpu.memory_space<vmem>>, vector<16xi32>,
        %broadcast_in_dim3A_679 = arith.constant true
        %broadcast_in_dim3A_680 = vector.broadcast %broadcast_in_dim3A_679 : i1 to vector<16xi1>
        %unique3A_681, %unique3A_682 = tpu.scan_count mask(%broadcast_in_dim3A_680 : vector<16xi1>) value(%get3A_678 : vector<16xi32>) : vector<16xi1>, vector<16xi32>
        %convert_element_type3A_683 = arith.sitofp %unique3A_682 : vector<16xi32> to vector<16xf32>
        tpu.vector_store_idx %arg12[%get3A_678], %convert_element_type3A_683 masked %unique3A_681 {add = true} : memref<1024xf32, #tpu.memory_space<vmem>>[vector<16xi32>], vector<16xf32>, vector<16xi1>
      } else {
      }
      %mul3A_591 = arith.constant 3 : i32
      %mul3A_592 = arith.muli %mul3A_591, %scan3A_536 : i32
      %add3A_593 = arith.constant 2 : i32
      %add3A_594 = arith.addi %mul3A_592, %add3A_593 : i32
      %mul3A_595 = arith.constant 16 : i32
      %mul3A_596 = arith.muli %mul3A_595, %add3A_594 : i32
      %add3A_597 = arith.addi %arg1, %mul3A_596 : i32
      %add3A_598 = arith.constant 16 : i32
      %add3A_599 = arith.addi %add3A_597, %add3A_598 : i32
      %lt3A_600 = arith.constant 781 : i32
      %lt3A_601 = arith.cmpi slt, %add3A_599, %lt3A_600 : i32
      %add3A_602 = arith.constant 32 : i32
      %add3A_603 = arith.addi %arg1, %add3A_602 : i32
      %ge3A_604 = arith.cmpi sge, %add3A_597, %add3A_603 : i32
      %and3A_605 = arith.andi %lt3A_601, %ge3A_604 : i1
      %convert_element_type3A_606 = arith.extui %and3A_605 : i1 to i32
      %cond3A_607 = arith.constant 0 : i32
      %cond3A_608 = arith.cmpi ne, %convert_element_type3A_606, %cond3A_607 : i32
      scf.if %cond3A_608 {
        %dma_wait3A_620 = arith.constant 0 : i32
        %dma_wait3A_621 = arith.constant 0 : i32
        %dma_wait3A_622 = tpu.memref_slice %arg19[%dma_wait3A_620, %dma_wait3A_621] : memref<1024x64xf32, #tpu.memory_space<vmem_shared>> -> memref<1024x64xf32, #tpu.memory_space<vmem_shared>>
        tpu.wait_indirect_dma semaphore(%arg27 : memref<!tpu.dma_semaphore, #tpu.memory_space<semaphore_mem>>) src(%arg9 : memref<128x64xf32, #tpu.memory_space<vmem>>) dst(%dma_wait3A_622 : memref<1024x64xf32, #tpu.memory_space<vmem_shared>>)
      } else {
      }
      %lt3A_609 = arith.constant 781 : i32
      %lt3A_610 = arith.cmpi slt, %add3A_599, %lt3A_609 : i32
      %convert_element_type3A_611 = arith.extui %lt3A_610 : i1 to i32
      %cond3A_612 = arith.constant 0 : i32
      %cond3A_613 = arith.cmpi ne, %convert_element_type3A_611, %cond3A_612 : i32
      scf.if %cond3A_613 {
        %mul3A_620 = arith.constant 128 : i32
        %mul3A_621 = arith.muli %add3A_599, %mul3A_620 : i32
        %dma_start3A_622 = tpu.memref_slice %arg3[%mul3A_621] : memref<100000xi32, #tpu.memory_space<hbm>> -> memref<128xi32, #tpu.memory_space<hbm>>
        %dma_start3A_623 = tpu.memref_slice %arg3[%mul3A_621] : memref<100000xi32, #tpu.memory_space<hbm>> -> memref<128xi32, #tpu.memory_space<hbm>>
        tpu.enqueue_dma source(%dma_start3A_623 : memref<128xi32, #tpu.memory_space<hbm>>) target(%arg6 : memref<128xi32, #tpu.memory_space<vmem>>) target_semaphore(%arg21 : memref<!tpu.dma_semaphore, #tpu.memory_space<semaphore_mem>>)
        %dma_start3A_624 = tpu.memref_slice %arg2[%mul3A_621, %mul3A_0] : memref<100000x128xf32, #tpu.memory_space<hbm>> -> memref<128x64xf32, #tpu.memory_space<hbm>>
        %dma_start3A_625 = tpu.memref_slice %arg2[%mul3A_621, %mul3A_0] : memref<100000x128xf32, #tpu.memory_space<hbm>> -> memref<128x64xf32, #tpu.memory_space<hbm>>
        tpu.enqueue_dma source(%dma_start3A_625 : memref<128x64xf32, #tpu.memory_space<hbm>>) target(%arg9 : memref<128x64xf32, #tpu.memory_space<vmem>>) target_semaphore(%arg24 : memref<!tpu.dma_semaphore, #tpu.memory_space<semaphore_mem>>)
      } else {
      }
      %lt3A_614 = arith.constant 781 : i32
      %lt3A_615 = arith.cmpi slt, %add3A_597, %lt3A_614 : i32
      %convert_element_type3A_616 = arith.extui %lt3A_615 : i1 to i32
      %cond3A_617 = arith.constant 0 : i32
      %cond3A_618 = arith.cmpi ne, %convert_element_type3A_616, %cond3A_617 : i32
      scf.if %cond3A_618 {
        %mul3A_620 = arith.constant 128 : i32
        %mul3A_621 = arith.muli %add3A_597, %mul3A_620 : i32
        %dma_wait3A_622 = tpu.memref_slice %arg3[%mul3A_621] : memref<100000xi32, #tpu.memory_space<hbm>> -> memref<128xi32, #tpu.memory_space<hbm>>
        %dma_wait3A_623 = tpu.memref_slice %arg3[%mul3A_621] : memref<100000xi32, #tpu.memory_space<hbm>> -> memref<128xi32, #tpu.memory_space<hbm>>
        tpu.wait_dma2 semaphore(%arg23 : memref<!tpu.dma_semaphore, #tpu.memory_space<semaphore_mem>>) src(%dma_wait3A_623 : memref<128xi32, #tpu.memory_space<hbm>>) dst(%arg8 : memref<128xi32, #tpu.memory_space<vmem>>)
        %dma_wait3A_624 = tpu.memref_slice %arg2[%mul3A_621, %mul3A_0] : memref<100000x128xf32, #tpu.memory_space<hbm>> -> memref<128x64xf32, #tpu.memory_space<hbm>>
        %dma_wait3A_625 = tpu.memref_slice %arg2[%mul3A_621, %mul3A_0] : memref<100000x128xf32, #tpu.memory_space<hbm>> -> memref<128x64xf32, #tpu.memory_space<hbm>>
        tpu.wait_dma2 semaphore(%arg26 : memref<!tpu.dma_semaphore, #tpu.memory_space<semaphore_mem>>) src(%dma_wait3A_625 : memref<128x64xf32, #tpu.memory_space<hbm>>) dst(%arg11 : memref<128x64xf32, #tpu.memory_space<vmem>>)
        %dma_start3A_626 = arith.constant 0 : i32
        %dma_start3A_627 = arith.constant 0 : i32
        %dma_start3A_628 = tpu.memref_slice %arg19[%dma_start3A_626, %dma_start3A_627] : memref<1024x64xf32, #tpu.memory_space<vmem_shared>> -> memref<1024x64xf32, #tpu.memory_space<vmem_shared>>
        tpu.enqueue_indirect_dma source(%arg11 : memref<128x64xf32, #tpu.memory_space<vmem>>) target(%dma_start3A_628 : memref<1024x64xf32, #tpu.memory_space<vmem_shared>>) offsets(%arg8 : memref<128xi32, #tpu.memory_space<vmem>>) semaphore(%arg29 : memref<!tpu.dma_semaphore, #tpu.memory_space<semaphore_mem>>) {add = true}
        %get3A_629 = arith.constant 0 : index
        %get3A_630 = tpu.vector_load %arg8[%get3A_629] {strides = array<i32>} : memref<128xi32, #tpu.memory_space<vmem>>, vector<16xi32>,
        %broadcast_in_dim3A_631 = arith.constant true
        %broadcast_in_dim3A_632 = vector.broadcast %broadcast_in_dim3A_631 : i1 to vector<16xi1>
        %unique3A, %unique3A_633 = tpu.scan_count mask(%broadcast_in_dim3A_632 : vector<16xi1>) value(%get3A_630 : vector<16xi32>) : vector<16xi1>, vector<16xi32>
        %convert_element_type3A_634 = arith.sitofp %unique3A_633 : vector<16xi32> to vector<16xf32>
        tpu.vector_store_idx %arg12[%get3A_630], %convert_element_type3A_634 masked %unique3A {add = true} : memref<1024xf32, #tpu.memory_space<vmem>>[vector<16xi32>], vector<16xf32>, vector<16xi1>
        %get3A_635 = arith.constant 16 : index
        %get3A_636 = tpu.vector_load %arg8[%get3A_635] {strides = array<i32>} : memref<128xi32, #tpu.memory_space<vmem>>, vector<16xi32>,
        %broadcast_in_dim3A_637 = arith.constant true
        %broadcast_in_dim3A_638 = vector.broadcast %broadcast_in_dim3A_637 : i1 to vector<16xi1>
        %unique3A_639, %unique3A_640 = tpu.scan_count mask(%broadcast_in_dim3A_638 : vector<16xi1>) value(%get3A_636 : vector<16xi32>) : vector<16xi1>, vector<16xi32>
        %convert_element_type3A_641 = arith.sitofp %unique3A_640 : vector<16xi32> to vector<16xf32>
        tpu.vector_store_idx %arg12[%get3A_636], %convert_element_type3A_641 masked %unique3A_639 {add = true} : memref<1024xf32, #tpu.memory_space<vmem>>[vector<16xi32>], vector<16xf32>, vector<16xi1>
        %get3A_642 = arith.constant 32 : index
        %get3A_643 = tpu.vector_load %arg8[%get3A_642] {strides = array<i32>} : memref<128xi32, #tpu.memory_space<vmem>>, vector<16xi32>,
        %broadcast_in_dim3A_644 = arith.constant true
        %broadcast_in_dim3A_645 = vector.broadcast %broadcast_in_dim3A_644 : i1 to vector<16xi1>
        %unique3A_646, %unique3A_647 = tpu.scan_count mask(%broadcast_in_dim3A_645 : vector<16xi1>) value(%get3A_643 : vector<16xi32>) : vector<16xi1>, vector<16xi32>
        %convert_element_type3A_648 = arith.sitofp %unique3A_647 : vector<16xi32> to vector<16xf32>
        tpu.vector_store_idx %arg12[%get3A_643], %convert_element_type3A_648 masked %unique3A_646 {add = true} : memref<1024xf32, #tpu.memory_space<vmem>>[vector<16xi32>], vector<16xf32>, vector<16xi1>
        %get3A_649 = arith.constant 48 : index
        %get3A_650 = tpu.vector_load %arg8[%get3A_649] {strides = array<i32>} : memref<128xi32, #tpu.memory_space<vmem>>, vector<16xi32>,
        %broadcast_in_dim3A_651 = arith.constant true
        %broadcast_in_dim3A_652 = vector.broadcast %broadcast_in_dim3A_651 : i1 to vector<16xi1>
        %unique3A_653, %unique3A_654 = tpu.scan_count mask(%broadcast_in_dim3A_652 : vector<16xi1>) value(%get3A_650 : vector<16xi32>) : vector<16xi1>, vector<16xi32>
        %convert_element_type3A_655 = arith.sitofp %unique3A_654 : vector<16xi32> to vector<16xf32>
        tpu.vector_store_idx %arg12[%get3A_650], %convert_element_type3A_655 masked %unique3A_653 {add = true} : memref<1024xf32, #tpu.memory_space<vmem>>[vector<16xi32>], vector<16xf32>, vector<16xi1>
        %get3A_656 = arith.constant 64 : index
        %get3A_657 = tpu.vector_load %arg8[%get3A_656] {strides = array<i32>} : memref<128xi32, #tpu.memory_space<vmem>>, vector<16xi32>,
        %broadcast_in_dim3A_658 = arith.constant true
        %broadcast_in_dim3A_659 = vector.broadcast %broadcast_in_dim3A_658 : i1 to vector<16xi1>
        %unique3A_660, %unique3A_661 = tpu.scan_count mask(%broadcast_in_dim3A_659 : vector<16xi1>) value(%get3A_657 : vector<16xi32>) : vector<16xi1>, vector<16xi32>
        %convert_element_type3A_662 = arith.sitofp %unique3A_661 : vector<16xi32> to vector<16xf32>
        tpu.vector_store_idx %arg12[%get3A_657], %convert_element_type3A_662 masked %unique3A_660 {add = true} : memref<1024xf32, #tpu.memory_space<vmem>>[vector<16xi32>], vector<16xf32>, vector<16xi1>
        %get3A_663 = arith.constant 80 : index
        %get3A_664 = tpu.vector_load %arg8[%get3A_663] {strides = array<i32>} : memref<128xi32, #tpu.memory_space<vmem>>, vector<16xi32>,
        %broadcast_in_dim3A_665 = arith.constant true
        %broadcast_in_dim3A_666 = vector.broadcast %broadcast_in_dim3A_665 : i1 to vector<16xi1>
        %unique3A_667, %unique3A_668 = tpu.scan_count mask(%broadcast_in_dim3A_666 : vector<16xi1>) value(%get3A_664 : vector<16xi32>) : vector<16xi1>, vector<16xi32>
        %convert_element_type3A_669 = arith.sitofp %unique3A_668 : vector<16xi32> to vector<16xf32>
        tpu.vector_store_idx %arg12[%get3A_664], %convert_element_type3A_669 masked %unique3A_667 {add = true} : memref<1024xf32, #tpu.memory_space<vmem>>[vector<16xi32>], vector<16xf32>, vector<16xi1>
        %get3A_670 = arith.constant 96 : index
        %get3A_671 = tpu.vector_load %arg8[%get3A_670] {strides = array<i32>} : memref<128xi32, #tpu.memory_space<vmem>>, vector<16xi32>,
        %broadcast_in_dim3A_672 = arith.constant true
        %broadcast_in_dim3A_673 = vector.broadcast %broadcast_in_dim3A_672 : i1 to vector<16xi1>
        %unique3A_674, %unique3A_675 = tpu.scan_count mask(%broadcast_in_dim3A_673 : vector<16xi1>) value(%get3A_671 : vector<16xi32>) : vector<16xi1>, vector<16xi32>
        %convert_element_type3A_676 = arith.sitofp %unique3A_675 : vector<16xi32> to vector<16xf32>
        tpu.vector_store_idx %arg12[%get3A_671], %convert_element_type3A_676 masked %unique3A_674 {add = true} : memref<1024xf32, #tpu.memory_space<vmem>>[vector<16xi32>], vector<16xf32>, vector<16xi1>
        %get3A_677 = arith.constant 112 : index
        %get3A_678 = tpu.vector_load %arg8[%get3A_677] {strides = array<i32>} : memref<128xi32, #tpu.memory_space<vmem>>, vector<16xi32>,
        %broadcast_in_dim3A_679 = arith.constant true
        %broadcast_in_dim3A_680 = vector.broadcast %broadcast_in_dim3A_679 : i1 to vector<16xi1>
        %unique3A_681, %unique3A_682 = tpu.scan_count mask(%broadcast_in_dim3A_680 : vector<16xi1>) value(%get3A_678 : vector<16xi32>) : vector<16xi1>, vector<16xi32>
        %convert_element_type3A_683 = arith.sitofp %unique3A_682 : vector<16xi32> to vector<16xf32>
        tpu.vector_store_idx %arg12[%get3A_678], %convert_element_type3A_683 masked %unique3A_681 {add = true} : memref<1024xf32, #tpu.memory_space<vmem>>[vector<16xi32>], vector<16xf32>, vector<16xi1>
      } else {
      }
      %scan3A_619 = arith.constant 0 : i32
      scf.yield %scan3A_619 : i32
    }
    %scan3A_36 = arith.constant 17 : i32
    %dma_wait3A = arith.constant 0 : i32
    %dma_wait3A_37 = arith.constant 0 : i32
    %dma_wait3A_38 = tpu.memref_slice %arg19[%dma_wait3A, %dma_wait3A_37] : memref<1024x64xf32, #tpu.memory_space<vmem_shared>> -> memref<1024x64xf32, #tpu.memory_space<vmem_shared>>
    tpu.wait_indirect_dma semaphore(%arg27 : memref<!tpu.dma_semaphore, #tpu.memory_space<semaphore_mem>>) src(%arg9 : memref<128x64xf32, #tpu.memory_space<vmem>>) dst(%dma_wait3A_38 : memref<1024x64xf32, #tpu.memory_space<vmem_shared>>)
    %dma_wait3A_39 = arith.constant 0 : i32
    %dma_wait3A_40 = arith.constant 0 : i32
    %dma_wait3A_41 = tpu.memref_slice %arg19[%dma_wait3A_39, %dma_wait3A_40] : memref<1024x64xf32, #tpu.memory_space<vmem_shared>> -> memref<1024x64xf32, #tpu.memory_space<vmem_shared>>
    tpu.wait_indirect_dma semaphore(%arg28 : memref<!tpu.dma_semaphore, #tpu.memory_space<semaphore_mem>>) src(%arg10 : memref<128x64xf32, #tpu.memory_space<vmem>>) dst(%dma_wait3A_41 : memref<1024x64xf32, #tpu.memory_space<vmem_shared>>)
    %dma_wait3A_42 = arith.constant 0 : i32
    %dma_wait3A_43 = arith.constant 0 : i32
    %dma_wait3A_44 = tpu.memref_slice %arg19[%dma_wait3A_42, %dma_wait3A_43] : memref<1024x64xf32, #tpu.memory_space<vmem_shared>> -> memref<1024x64xf32, #tpu.memory_space<vmem_shared>>
    tpu.wait_indirect_dma semaphore(%arg29 : memref<!tpu.dma_semaphore, #tpu.memory_space<semaphore_mem>>) src(%arg11 : memref<128x64xf32, #tpu.memory_space<vmem>>) dst(%dma_wait3A_44 : memref<1024x64xf32, #tpu.memory_space<vmem_shared>>)
    %eq3A = arith.constant 15 : i32
    %eq3A_45 = arith.cmpi eq, %arg1, %eq3A : i32
    %convert_element_type3A = arith.extui %eq3A_45 : i1 to i32
    %cond3A = arith.constant 0 : i32
    %cond3A_46 = arith.cmpi ne, %convert_element_type3A, %cond3A : i32
    scf.if %cond3A_46 {
      "tpu.region"() ({
        %run_scoped3A = tpu.sem_alloc : memref<!tpu.dma_semaphore, #tpu.memory_space<semaphore_mem>>
        %dma_start3A_549 = arith.constant 99968 : i32
        %dma_start3A_550 = tpu.memref_slice %arg3[%dma_start3A_549] : memref<100000xi32, #tpu.memory_space<hbm>> -> memref<32xi32, #tpu.memory_space<hbm>>
        %dma_start3A_551 = arith.constant 99968 : i32
        %dma_start3A_552 = tpu.memref_slice %arg3[%dma_start3A_551] : memref<100000xi32, #tpu.memory_space<hbm>> -> memref<32xi32, #tpu.memory_space<hbm>>
        tpu.enqueue_dma source(%dma_start3A_552 : memref<32xi32, #tpu.memory_space<hbm>>) target(%arg17 : memref<32xi32, #tpu.memory_space<vmem>>) target_semaphore(%run_scoped3A : memref<!tpu.dma_semaphore, #tpu.memory_space<semaphore_mem>>)
        %dma_wait3A_553 = arith.constant 99968 : i32
        %dma_wait3A_554 = tpu.memref_slice %arg3[%dma_wait3A_553] : memref<100000xi32, #tpu.memory_space<hbm>> -> memref<32xi32, #tpu.memory_space<hbm>>
        %dma_wait3A_555 = arith.constant 99968 : i32
        %dma_wait3A_556 = tpu.memref_slice %arg3[%dma_wait3A_555] : memref<100000xi32, #tpu.memory_space<hbm>> -> memref<32xi32, #tpu.memory_space<hbm>>
        tpu.wait_dma2 semaphore(%run_scoped3A : memref<!tpu.dma_semaphore, #tpu.memory_space<semaphore_mem>>) src(%dma_wait3A_556 : memref<32xi32, #tpu.memory_space<hbm>>) dst(%arg17 : memref<32xi32, #tpu.memory_space<vmem>>)
        tpu.yield
      }) : () -> ()
      "tpu.region"() ({
        %run_scoped3A = tpu.sem_alloc : memref<!tpu.dma_semaphore, #tpu.memory_space<semaphore_mem>>
        %dma_start3A_549 = arith.constant 99968 : i32
        %dma_start3A_550 = tpu.memref_slice %arg2[%dma_start3A_549, %mul3A_0] : memref<100000x128xf32, #tpu.memory_space<hbm>> -> memref<32x64xf32, #tpu.memory_space<hbm>>
        %dma_start3A_551 = arith.constant 99968 : i32
        %dma_start3A_552 = tpu.memref_slice %arg2[%dma_start3A_551, %mul3A_0] : memref<100000x128xf32, #tpu.memory_space<hbm>> -> memref<32x64xf32, #tpu.memory_space<hbm>>
        tpu.enqueue_dma source(%dma_start3A_552 : memref<32x64xf32, #tpu.memory_space<hbm>>) target(%arg18 : memref<32x64xf32, #tpu.memory_space<vmem>>) target_semaphore(%run_scoped3A : memref<!tpu.dma_semaphore, #tpu.memory_space<semaphore_mem>>)
        %dma_wait3A_553 = arith.constant 99968 : i32
        %dma_wait3A_554 = tpu.memref_slice %arg2[%dma_wait3A_553, %mul3A_0] : memref<100000x128xf32, #tpu.memory_space<hbm>> -> memref<32x64xf32, #tpu.memory_space<hbm>>
        %dma_wait3A_555 = arith.constant 99968 : i32
        %dma_wait3A_556 = tpu.memref_slice %arg2[%dma_wait3A_555, %mul3A_0] : memref<100000x128xf32, #tpu.memory_space<hbm>> -> memref<32x64xf32, #tpu.memory_space<hbm>>
        tpu.wait_dma2 semaphore(%run_scoped3A : memref<!tpu.dma_semaphore, #tpu.memory_space<semaphore_mem>>) src(%dma_wait3A_556 : memref<32x64xf32, #tpu.memory_space<hbm>>) dst(%arg18 : memref<32x64xf32, #tpu.memory_space<vmem>>)
        tpu.yield
      }) : () -> ()
      "tpu.region"() ({
        %run_scoped3A = tpu.sem_alloc : memref<!tpu.dma_semaphore, #tpu.memory_space<semaphore_mem>>
        %dma_start3A_549 = arith.constant 0 : i32
        %dma_start3A_550 = arith.constant 0 : i32
        %dma_start3A_551 = tpu.memref_slice %arg19[%dma_start3A_549, %dma_start3A_550] : memref<1024x64xf32, #tpu.memory_space<vmem_shared>> -> memref<1024x64xf32, #tpu.memory_space<vmem_shared>>
        tpu.enqueue_indirect_dma source(%arg18 : memref<32x64xf32, #tpu.memory_space<vmem>>) target(%dma_start3A_551 : memref<1024x64xf32, #tpu.memory_space<vmem_shared>>) offsets(%arg17 : memref<32xi32, #tpu.memory_space<vmem>>) semaphore(%run_scoped3A : memref<!tpu.dma_semaphore, #tpu.memory_space<semaphore_mem>>) {add = true}
        %dma_wait3A_552 = arith.constant 0 : i32
        %dma_wait3A_553 = arith.constant 0 : i32
        %dma_wait3A_554 = tpu.memref_slice %arg19[%dma_wait3A_552, %dma_wait3A_553] : memref<1024x64xf32, #tpu.memory_space<vmem_shared>> -> memref<1024x64xf32, #tpu.memory_space<vmem_shared>>
        tpu.wait_indirect_dma semaphore(%run_scoped3A : memref<!tpu.dma_semaphore, #tpu.memory_space<semaphore_mem>>) src(%arg18 : memref<32x64xf32, #tpu.memory_space<vmem>>) dst(%dma_wait3A_554 : memref<1024x64xf32, #tpu.memory_space<vmem_shared>>)
        tpu.yield
      }) : () -> ()
      %get3A_536 = arith.constant 0 : index
      %get3A_537 = tpu.vector_load %arg17[%get3A_536] {strides = array<i32>} : memref<32xi32, #tpu.memory_space<vmem>>, vector<16xi32>,
      %broadcast_in_dim3A_538 = arith.constant true
      %broadcast_in_dim3A_539 = vector.broadcast %broadcast_in_dim3A_538 : i1 to vector<16xi1>
      %unique3A, %unique3A_540 = tpu.scan_count mask(%broadcast_in_dim3A_539 : vector<16xi1>) value(%get3A_537 : vector<16xi32>) : vector<16xi1>, vector<16xi32>
      %convert_element_type3A_541 = arith.sitofp %unique3A_540 : vector<16xi32> to vector<16xf32>
      tpu.vector_store_idx %arg12[%get3A_537], %convert_element_type3A_541 masked %unique3A {add = true} : memref<1024xf32, #tpu.memory_space<vmem>>[vector<16xi32>], vector<16xf32>, vector<16xi1>
      %get3A_542 = arith.constant 16 : index
      %get3A_543 = tpu.vector_load %arg17[%get3A_542] {strides = array<i32>} : memref<32xi32, #tpu.memory_space<vmem>>, vector<16xi32>,
      %broadcast_in_dim3A_544 = arith.constant true
      %broadcast_in_dim3A_545 = vector.broadcast %broadcast_in_dim3A_544 : i1 to vector<16xi1>
      %unique3A_546, %unique3A_547 = tpu.scan_count mask(%broadcast_in_dim3A_545 : vector<16xi1>) value(%get3A_543 : vector<16xi32>) : vector<16xi1>, vector<16xi32>
      %convert_element_type3A_548 = arith.sitofp %unique3A_547 : vector<16xi32> to vector<16xf32>
      tpu.vector_store_idx %arg12[%get3A_543], %convert_element_type3A_548 masked %unique3A_546 {add = true} : memref<1024xf32, #tpu.memory_space<vmem>>[vector<16xi32>], vector<16xf32>, vector<16xi1>
    } else {
    }
    "tpu.region"() ({
      %run_scoped3A = tpu.sem_alloc : memref<!tpu.dma_semaphore, #tpu.memory_space<semaphore_mem>>
      %dma_start3A_536 = arith.constant 0 : i32
      %dma_start3A_537 = tpu.memref_slice %arg20[%arg1, %dma_start3A_536] : memref<16x1024xf32, #tpu.memory_space<vmem_shared>> -> memref<1x1024xf32, #tpu.memory_space<vmem_shared>>
      %dma_start3A_538 = tpu.memref_squeeze %dma_start3A_537 : memref<1x1024xf32, #tpu.memory_space<vmem_shared>> -> memref<1024xf32, #tpu.memory_space<vmem_shared>>
      %dma_start3A_539 = arith.constant 0 : i32
      %dma_start3A_540 = tpu.memref_slice %arg20[%arg1, %dma_start3A_539] : memref<16x1024xf32, #tpu.memory_space<vmem_shared>> -> memref<1x1024xf32, #tpu.memory_space<vmem_shared>>
      %dma_start3A_541 = tpu.memref_squeeze %dma_start3A_540 : memref<1x1024xf32, #tpu.memory_space<vmem_shared>> -> memref<1024xf32, #tpu.memory_space<vmem_shared>>
      tpu.enqueue_dma source(%arg12 : memref<1024xf32, #tpu.memory_space<vmem>>) target(%dma_start3A_541 : memref<1024xf32, #tpu.memory_space<vmem_shared>>) target_semaphore(%run_scoped3A : memref<!tpu.dma_semaphore, #tpu.memory_space<semaphore_mem>>)
      %dma_wait3A_542 = arith.constant 0 : i32
      %dma_wait3A_543 = tpu.memref_slice %arg20[%arg1, %dma_wait3A_542] : memref<16x1024xf32, #tpu.memory_space<vmem_shared>> -> memref<1x1024xf32, #tpu.memory_space<vmem_shared>>
      %dma_wait3A_544 = tpu.memref_squeeze %dma_wait3A_543 : memref<1x1024xf32, #tpu.memory_space<vmem_shared>> -> memref<1024xf32, #tpu.memory_space<vmem_shared>>
      %dma_wait3A_545 = arith.constant 0 : i32
      %dma_wait3A_546 = tpu.memref_slice %arg20[%arg1, %dma_wait3A_545] : memref<16x1024xf32, #tpu.memory_space<vmem_shared>> -> memref<1x1024xf32, #tpu.memory_space<vmem_shared>>
      %dma_wait3A_547 = tpu.memref_squeeze %dma_wait3A_546 : memref<1x1024xf32, #tpu.memory_space<vmem_shared>> -> memref<1024xf32, #tpu.memory_space<vmem_shared>>
      tpu.wait_dma2 semaphore(%run_scoped3A : memref<!tpu.dma_semaphore, #tpu.memory_space<semaphore_mem>>) src(%arg12 : memref<1024xf32, #tpu.memory_space<vmem>>) dst(%dma_wait3A_547 : memref<1024xf32, #tpu.memory_space<vmem_shared>>)
      tpu.yield
    }) : () -> ()
    %dma_wait3A_47 = arith.constant 0 : i32
    %dma_wait3A_48 = tpu.memref_slice %arg4[%mul3A_7, %dma_wait3A_47] : memref<1024x128xf32, #tpu.memory_space<hbm>> -> memref<32x128xf32, #tpu.memory_space<hbm>>
    %dma_wait3A_49 = arith.constant 0 : i32
    %dma_wait3A_50 = tpu.memref_slice %arg4[%mul3A_7, %dma_wait3A_49] : memref<1024x128xf32, #tpu.memory_space<hbm>> -> memref<32x128xf32, #tpu.memory_space<hbm>>
    tpu.wait_dma2 semaphore(%arg30 : memref<!tpu.dma_semaphore, #tpu.memory_space<semaphore_mem>>) src(%dma_wait3A_50 : memref<32x128xf32, #tpu.memory_space<hbm>>) dst(%arg16 : memref<32x128xf32, #tpu.memory_space<vmem>>)
    "tpu.region"() ({
      %run_scoped3A = tpu.sem_alloc : memref<!tpu.dma_semaphore, #tpu.memory_space<semaphore_mem>>
      %dma_start3A_536 = arith.constant 128 : i32
      %dma_start3A_537 = tpu.memref_slice %arg5[%mul3A_7, %dma_start3A_536] : memref<1024x256xf32, #tpu.memory_space<hbm>> -> memref<32x128xf32, #tpu.memory_space<hbm>>
      %dma_start3A_538 = arith.constant 128 : i32
      %dma_start3A_539 = tpu.memref_slice %arg5[%mul3A_7, %dma_start3A_538] : memref<1024x256xf32, #tpu.memory_space<hbm>> -> memref<32x128xf32, #tpu.memory_space<hbm>>
      tpu.enqueue_dma source(%arg16 : memref<32x128xf32, #tpu.memory_space<vmem>>) target(%dma_start3A_539 : memref<32x128xf32, #tpu.memory_space<hbm>>) target_semaphore(%run_scoped3A : memref<!tpu.dma_semaphore, #tpu.memory_space<semaphore_mem>>)
      %dma_wait3A_540 = arith.constant 128 : i32
      %dma_wait3A_541 = tpu.memref_slice %arg5[%mul3A_7, %dma_wait3A_540] : memref<1024x256xf32, #tpu.memory_space<hbm>> -> memref<32x128xf32, #tpu.memory_space<hbm>>
      %dma_wait3A_542 = arith.constant 128 : i32
      %dma_wait3A_543 = tpu.memref_slice %arg5[%mul3A_7, %dma_wait3A_542] : memref<1024x256xf32, #tpu.memory_space<hbm>> -> memref<32x128xf32, #tpu.memory_space<hbm>>
      tpu.wait_dma2 semaphore(%run_scoped3A : memref<!tpu.dma_semaphore, #tpu.memory_space<semaphore_mem>>) src(%arg16 : memref<32x128xf32, #tpu.memory_space<vmem>>) dst(%dma_wait3A_543 : memref<32x128xf32, #tpu.memory_space<hbm>>)
      tpu.yield
    }) : () -> ()
    %barrier3A_51 = arith.constant 0 : index
    tpu.barrier barrier_id(%barrier3A_51)
    "tpu.region"() ({
      %run_scoped3A = tpu.sem_alloc : memref<!tpu.dma_semaphore, #tpu.memory_space<semaphore_mem>>
      %dma_start3A_536 = arith.constant 0 : i32
      %dma_start3A_537 = tpu.memref_slice %arg19[%mul3A_2, %dma_start3A_536] : memref<1024x64xf32, #tpu.memory_space<vmem_shared>> -> memref<64x64xf32, #tpu.memory_space<vmem_shared>>
      %dma_start3A_538 = arith.constant 0 : i32
      %dma_start3A_539 = tpu.memref_slice %arg19[%mul3A_2, %dma_start3A_538] : memref<1024x64xf32, #tpu.memory_space<vmem_shared>> -> memref<64x64xf32, #tpu.memory_space<vmem_shared>>
      tpu.enqueue_dma source(%dma_start3A_539 : memref<64x64xf32, #tpu.memory_space<vmem_shared>>) target(%arg13 : memref<64x64xf32, #tpu.memory_space<vmem>>) target_semaphore(%run_scoped3A : memref<!tpu.dma_semaphore, #tpu.memory_space<semaphore_mem>>)
      %dma_wait3A_540 = arith.constant 0 : i32
      %dma_wait3A_541 = tpu.memref_slice %arg19[%mul3A_2, %dma_wait3A_540] : memref<1024x64xf32, #tpu.memory_space<vmem_shared>> -> memref<64x64xf32, #tpu.memory_space<vmem_shared>>
      %dma_wait3A_542 = arith.constant 0 : i32
      %dma_wait3A_543 = tpu.memref_slice %arg19[%mul3A_2, %dma_wait3A_542] : memref<1024x64xf32, #tpu.memory_space<vmem_shared>> -> memref<64x64xf32, #tpu.memory_space<vmem_shared>>
      tpu.wait_dma2 semaphore(%run_scoped3A : memref<!tpu.dma_semaphore, #tpu.memory_space<semaphore_mem>>) src(%dma_wait3A_543 : memref<64x64xf32, #tpu.memory_space<vmem_shared>>) dst(%arg13 : memref<64x64xf32, #tpu.memory_space<vmem>>)
      tpu.yield
    }) : () -> ()
    "tpu.region"() ({
      %run_scoped3A = tpu.sem_alloc : memref<!tpu.dma_semaphore, #tpu.memory_space<semaphore_mem>>
      %dma_start3A_536 = arith.constant 0 : i32
      %dma_start3A_537 = tpu.memref_slice %arg20[%dma_start3A_536, %mul3A_2] : memref<16x1024xf32, #tpu.memory_space<vmem_shared>> -> memref<16x64xf32, #tpu.memory_space<vmem_shared>>
      %dma_start3A_538 = arith.constant 0 : i32
      %dma_start3A_539 = tpu.memref_slice %arg20[%dma_start3A_538, %mul3A_2] : memref<16x1024xf32, #tpu.memory_space<vmem_shared>> -> memref<16x64xf32, #tpu.memory_space<vmem_shared>>
      tpu.enqueue_dma source(%dma_start3A_539 : memref<16x64xf32, #tpu.memory_space<vmem_shared>>) target(%arg15 : memref<16x64xf32, #tpu.memory_space<vmem>>) target_semaphore(%run_scoped3A : memref<!tpu.dma_semaphore, #tpu.memory_space<semaphore_mem>>)
      %dma_wait3A_540 = arith.constant 0 : i32
      %dma_wait3A_541 = tpu.memref_slice %arg20[%dma_wait3A_540, %mul3A_2] : memref<16x1024xf32, #tpu.memory_space<vmem_shared>> -> memref<16x64xf32, #tpu.memory_space<vmem_shared>>
      %dma_wait3A_542 = arith.constant 0 : i32
      %dma_wait3A_543 = tpu.memref_slice %arg20[%dma_wait3A_542, %mul3A_2] : memref<16x1024xf32, #tpu.memory_space<vmem_shared>> -> memref<16x64xf32, #tpu.memory_space<vmem_shared>>
      tpu.wait_dma2 semaphore(%run_scoped3A : memref<!tpu.dma_semaphore, #tpu.memory_space<semaphore_mem>>) src(%dma_wait3A_543 : memref<16x64xf32, #tpu.memory_space<vmem_shared>>) dst(%arg15 : memref<16x64xf32, #tpu.memory_space<vmem>>)
      tpu.yield
    }) : () -> ()
    %iota3A = tpu.iota {dimensions = array<i32: 0>} : vector<16xi32>
    %get3A = arith.constant 0 : i32
    %get3A_52 = arith.index_cast %get3A : i32 to index
    %get3A_53 = arith.constant 0 : index
    %get3A_54 = tpu.vector_load %arg15[%get3A_52, %get3A_53] {strides = array<i32>} : memref<16x64xf32, #tpu.memory_space<vmem>>, vector<16xf32>,
    %get3A_55 = arith.constant 1 : i32
    %get3A_56 = arith.index_cast %get3A_55 : i32 to index
    %get3A_57 = arith.constant 0 : index
    %get3A_58 = tpu.vector_load %arg15[%get3A_56, %get3A_57] {strides = array<i32>} : memref<16x64xf32, #tpu.memory_space<vmem>>, vector<16xf32>,
    %add3A_59 = arith.addf %get3A_54, %get3A_58 : vector<16xf32>
    %get3A_60 = arith.constant 2 : i32
    %get3A_61 = arith.index_cast %get3A_60 : i32 to index
    %get3A_62 = arith.constant 0 : index
    %get3A_63 = tpu.vector_load %arg15[%get3A_61, %get3A_62] {strides = array<i32>} : memref<16x64xf32, #tpu.memory_space<vmem>>, vector<16xf32>,
    %add3A_64 = arith.addf %add3A_59, %get3A_63 : vector<16xf32>
    %get3A_65 = arith.constant 3 : i32
    %get3A_66 = arith.index_cast %get3A_65 : i32 to index
    %get3A_67 = arith.constant 0 : index
    %get3A_68 = tpu.vector_load %arg15[%get3A_66, %get3A_67] {strides = array<i32>} : memref<16x64xf32, #tpu.memory_space<vmem>>, vector<16xf32>,
    %add3A_69 = arith.addf %add3A_64, %get3A_68 : vector<16xf32>
    %get3A_70 = arith.constant 4 : i32
    %get3A_71 = arith.index_cast %get3A_70 : i32 to index
    %get3A_72 = arith.constant 0 : index
    %get3A_73 = tpu.vector_load %arg15[%get3A_71, %get3A_72] {strides = array<i32>} : memref<16x64xf32, #tpu.memory_space<vmem>>, vector<16xf32>,
    %add3A_74 = arith.addf %add3A_69, %get3A_73 : vector<16xf32>
    %get3A_75 = arith.constant 5 : i32
    %get3A_76 = arith.index_cast %get3A_75 : i32 to index
    %get3A_77 = arith.constant 0 : index
    %get3A_78 = tpu.vector_load %arg15[%get3A_76, %get3A_77] {strides = array<i32>} : memref<16x64xf32, #tpu.memory_space<vmem>>, vector<16xf32>,
    %add3A_79 = arith.addf %add3A_74, %get3A_78 : vector<16xf32>
    %get3A_80 = arith.constant 6 : i32
    %get3A_81 = arith.index_cast %get3A_80 : i32 to index
    %get3A_82 = arith.constant 0 : index
    %get3A_83 = tpu.vector_load %arg15[%get3A_81, %get3A_82] {strides = array<i32>} : memref<16x64xf32, #tpu.memory_space<vmem>>, vector<16xf32>,
    %add3A_84 = arith.addf %add3A_79, %get3A_83 : vector<16xf32>
    %get3A_85 = arith.constant 7 : i32
    %get3A_86 = arith.index_cast %get3A_85 : i32 to index
    %get3A_87 = arith.constant 0 : index
    %get3A_88 = tpu.vector_load %arg15[%get3A_86, %get3A_87] {strides = array<i32>} : memref<16x64xf32, #tpu.memory_space<vmem>>, vector<16xf32>,
    %add3A_89 = arith.addf %add3A_84, %get3A_88 : vector<16xf32>
    %get3A_90 = arith.constant 8 : i32
    %get3A_91 = arith.index_cast %get3A_90 : i32 to index
    %get3A_92 = arith.constant 0 : index
    %get3A_93 = tpu.vector_load %arg15[%get3A_91, %get3A_92] {strides = array<i32>} : memref<16x64xf32, #tpu.memory_space<vmem>>, vector<16xf32>,
    %add3A_94 = arith.addf %add3A_89, %get3A_93 : vector<16xf32>
    %get3A_95 = arith.constant 9 : i32
    %get3A_96 = arith.index_cast %get3A_95 : i32 to index
    %get3A_97 = arith.constant 0 : index
    %get3A_98 = tpu.vector_load %arg15[%get3A_96, %get3A_97] {strides = array<i32>} : memref<16x64xf32, #tpu.memory_space<vmem>>, vector<16xf32>,
    %add3A_99 = arith.addf %add3A_94, %get3A_98 : vector<16xf32>
    %get3A_100 = arith.constant 10 : i32
    %get3A_101 = arith.index_cast %get3A_100 : i32 to index
    %get3A_102 = arith.constant 0 : index
    %get3A_103 = tpu.vector_load %arg15[%get3A_101, %get3A_102] {strides = array<i32>} : memref<16x64xf32, #tpu.memory_space<vmem>>, vector<16xf32>,
    %add3A_104 = arith.addf %add3A_99, %get3A_103 : vector<16xf32>
    %get3A_105 = arith.constant 11 : i32
    %get3A_106 = arith.index_cast %get3A_105 : i32 to index
    %get3A_107 = arith.constant 0 : index
    %get3A_108 = tpu.vector_load %arg15[%get3A_106, %get3A_107] {strides = array<i32>} : memref<16x64xf32, #tpu.memory_space<vmem>>, vector<16xf32>,
    %add3A_109 = arith.addf %add3A_104, %get3A_108 : vector<16xf32>
    %get3A_110 = arith.constant 12 : i32
    %get3A_111 = arith.index_cast %get3A_110 : i32 to index
    %get3A_112 = arith.constant 0 : index
    %get3A_113 = tpu.vector_load %arg15[%get3A_111, %get3A_112] {strides = array<i32>} : memref<16x64xf32, #tpu.memory_space<vmem>>, vector<16xf32>,
    %add3A_114 = arith.addf %add3A_109, %get3A_113 : vector<16xf32>
    %get3A_115 = arith.constant 13 : i32
    %get3A_116 = arith.index_cast %get3A_115 : i32 to index
    %get3A_117 = arith.constant 0 : index
    %get3A_118 = tpu.vector_load %arg15[%get3A_116, %get3A_117] {strides = array<i32>} : memref<16x64xf32, #tpu.memory_space<vmem>>, vector<16xf32>,
    %add3A_119 = arith.addf %add3A_114, %get3A_118 : vector<16xf32>
    %get3A_120 = arith.constant 14 : i32
    %get3A_121 = arith.index_cast %get3A_120 : i32 to index
    %get3A_122 = arith.constant 0 : index
    %get3A_123 = tpu.vector_load %arg15[%get3A_121, %get3A_122] {strides = array<i32>} : memref<16x64xf32, #tpu.memory_space<vmem>>, vector<16xf32>,
    %add3A_124 = arith.addf %add3A_119, %get3A_123 : vector<16xf32>
    %get3A_125 = arith.constant 15 : i32
    %get3A_126 = arith.index_cast %get3A_125 : i32 to index
    %get3A_127 = arith.constant 0 : index
    %get3A_128 = tpu.vector_load %arg15[%get3A_126, %get3A_127] {strides = array<i32>} : memref<16x64xf32, #tpu.memory_space<vmem>>, vector<16xf32>,
    %add3A_129 = arith.addf %add3A_124, %get3A_128 : vector<16xf32>
    %max3A = arith.constant 1.000000e+00 : f32
    %max3A_130 = vector.broadcast %max3A : f32 to vector<16xf32>
    %max3A_131 = arith.maximumf %add3A_129, %max3A_130 : vector<16xf32>
    %div3A = arith.constant 1.000000e+00 : f32
    %div3A_132 = vector.broadcast %div3A : f32 to vector<16xf32>
    %div3A_133 = arith.divf %div3A_132, %max3A_131 : vector<16xf32>
    %add3A_134 = arith.constant 0 : i32
    %add3A_135 = vector.broadcast %add3A_134 : i32 to vector<16xi32>
    %add3A_136 = arith.addi %add3A_135, %iota3A : vector<16xi32>
    %broadcast_in_dim3A_137 = arith.constant 0 : i32
    %broadcast_in_dim3A_138 = vector.broadcast %broadcast_in_dim3A_137 : i32 to vector<16xi32>
    tpu.vector_store_idx %arg14[%add3A_136, %broadcast_in_dim3A_138], %div3A_133 : memref<64x16xf32, #tpu.memory_space<vmem>>[vector<16xi32>, vector<16xi32>], vector<16xf32>,
    %broadcast_in_dim3A_139 = arith.constant 1 : i32
    %broadcast_in_dim3A_140 = vector.broadcast %broadcast_in_dim3A_139 : i32 to vector<16xi32>
    tpu.vector_store_idx %arg14[%add3A_136, %broadcast_in_dim3A_140], %div3A_133 : memref<64x16xf32, #tpu.memory_space<vmem>>[vector<16xi32>, vector<16xi32>], vector<16xf32>,
    %broadcast_in_dim3A_141 = arith.constant 2 : i32
    %broadcast_in_dim3A_142 = vector.broadcast %broadcast_in_dim3A_141 : i32 to vector<16xi32>
    tpu.vector_store_idx %arg14[%add3A_136, %broadcast_in_dim3A_142], %div3A_133 : memref<64x16xf32, #tpu.memory_space<vmem>>[vector<16xi32>, vector<16xi32>], vector<16xf32>,
    %broadcast_in_dim3A_143 = arith.constant 3 : i32
    %broadcast_in_dim3A_144 = vector.broadcast %broadcast_in_dim3A_143 : i32 to vector<16xi32>
    tpu.vector_store_idx %arg14[%add3A_136, %broadcast_in_dim3A_144], %div3A_133 : memref<64x16xf32, #tpu.memory_space<vmem>>[vector<16xi32>, vector<16xi32>], vector<16xf32>,
    %broadcast_in_dim3A_145 = arith.constant 4 : i32
    %broadcast_in_dim3A_146 = vector.broadcast %broadcast_in_dim3A_145 : i32 to vector<16xi32>
    tpu.vector_store_idx %arg14[%add3A_136, %broadcast_in_dim3A_146], %div3A_133 : memref<64x16xf32, #tpu.memory_space<vmem>>[vector<16xi32>, vector<16xi32>], vector<16xf32>,
    %broadcast_in_dim3A_147 = arith.constant 5 : i32
    %broadcast_in_dim3A_148 = vector.broadcast %broadcast_in_dim3A_147 : i32 to vector<16xi32>
    tpu.vector_store_idx %arg14[%add3A_136, %broadcast_in_dim3A_148], %div3A_133 : memref<64x16xf32, #tpu.memory_space<vmem>>[vector<16xi32>, vector<16xi32>], vector<16xf32>,
    %broadcast_in_dim3A_149 = arith.constant 6 : i32
    %broadcast_in_dim3A_150 = vector.broadcast %broadcast_in_dim3A_149 : i32 to vector<16xi32>
    tpu.vector_store_idx %arg14[%add3A_136, %broadcast_in_dim3A_150], %div3A_133 : memref<64x16xf32, #tpu.memory_space<vmem>>[vector<16xi32>, vector<16xi32>], vector<16xf32>,
    %broadcast_in_dim3A_151 = arith.constant 7 : i32
    %broadcast_in_dim3A_152 = vector.broadcast %broadcast_in_dim3A_151 : i32 to vector<16xi32>
    tpu.vector_store_idx %arg14[%add3A_136, %broadcast_in_dim3A_152], %div3A_133 : memref<64x16xf32, #tpu.memory_space<vmem>>[vector<16xi32>, vector<16xi32>], vector<16xf32>,
    %broadcast_in_dim3A_153 = arith.constant 8 : i32
    %broadcast_in_dim3A_154 = vector.broadcast %broadcast_in_dim3A_153 : i32 to vector<16xi32>
    tpu.vector_store_idx %arg14[%add3A_136, %broadcast_in_dim3A_154], %div3A_133 : memref<64x16xf32, #tpu.memory_space<vmem>>[vector<16xi32>, vector<16xi32>], vector<16xf32>,
    %broadcast_in_dim3A_155 = arith.constant 9 : i32
    %broadcast_in_dim3A_156 = vector.broadcast %broadcast_in_dim3A_155 : i32 to vector<16xi32>
    tpu.vector_store_idx %arg14[%add3A_136, %broadcast_in_dim3A_156], %div3A_133 : memref<64x16xf32, #tpu.memory_space<vmem>>[vector<16xi32>, vector<16xi32>], vector<16xf32>,
    %broadcast_in_dim3A_157 = arith.constant 10 : i32
    %broadcast_in_dim3A_158 = vector.broadcast %broadcast_in_dim3A_157 : i32 to vector<16xi32>
    tpu.vector_store_idx %arg14[%add3A_136, %broadcast_in_dim3A_158], %div3A_133 : memref<64x16xf32, #tpu.memory_space<vmem>>[vector<16xi32>, vector<16xi32>], vector<16xf32>,
    %broadcast_in_dim3A_159 = arith.constant 11 : i32
    %broadcast_in_dim3A_160 = vector.broadcast %broadcast_in_dim3A_159 : i32 to vector<16xi32>
    tpu.vector_store_idx %arg14[%add3A_136, %broadcast_in_dim3A_160], %div3A_133 : memref<64x16xf32, #tpu.memory_space<vmem>>[vector<16xi32>, vector<16xi32>], vector<16xf32>,
    %broadcast_in_dim3A_161 = arith.constant 12 : i32
    %broadcast_in_dim3A_162 = vector.broadcast %broadcast_in_dim3A_161 : i32 to vector<16xi32>
    tpu.vector_store_idx %arg14[%add3A_136, %broadcast_in_dim3A_162], %div3A_133 : memref<64x16xf32, #tpu.memory_space<vmem>>[vector<16xi32>, vector<16xi32>], vector<16xf32>,
    %broadcast_in_dim3A_163 = arith.constant 13 : i32
    %broadcast_in_dim3A_164 = vector.broadcast %broadcast_in_dim3A_163 : i32 to vector<16xi32>
    tpu.vector_store_idx %arg14[%add3A_136, %broadcast_in_dim3A_164], %div3A_133 : memref<64x16xf32, #tpu.memory_space<vmem>>[vector<16xi32>, vector<16xi32>], vector<16xf32>,
    %broadcast_in_dim3A_165 = arith.constant 14 : i32
    %broadcast_in_dim3A_166 = vector.broadcast %broadcast_in_dim3A_165 : i32 to vector<16xi32>
    tpu.vector_store_idx %arg14[%add3A_136, %broadcast_in_dim3A_166], %div3A_133 : memref<64x16xf32, #tpu.memory_space<vmem>>[vector<16xi32>, vector<16xi32>], vector<16xf32>,
    %broadcast_in_dim3A_167 = arith.constant 15 : i32
    %broadcast_in_dim3A_168 = vector.broadcast %broadcast_in_dim3A_167 : i32 to vector<16xi32>
    tpu.vector_store_idx %arg14[%add3A_136, %broadcast_in_dim3A_168], %div3A_133 : memref<64x16xf32, #tpu.memory_space<vmem>>[vector<16xi32>, vector<16xi32>], vector<16xf32>,
    %get3A_169 = arith.constant 0 : i32
    %get3A_170 = arith.index_cast %get3A_169 : i32 to index
    %get3A_171 = arith.constant 16 : index
    %get3A_172 = tpu.vector_load %arg15[%get3A_170, %get3A_171] {strides = array<i32>} : memref<16x64xf32, #tpu.memory_space<vmem>>, vector<16xf32>,
    %get3A_173 = arith.constant 1 : i32
    %get3A_174 = arith.index_cast %get3A_173 : i32 to index
    %get3A_175 = arith.constant 16 : index
    %get3A_176 = tpu.vector_load %arg15[%get3A_174, %get3A_175] {strides = array<i32>} : memref<16x64xf32, #tpu.memory_space<vmem>>, vector<16xf32>,
    %add3A_177 = arith.addf %get3A_172, %get3A_176 : vector<16xf32>
    %get3A_178 = arith.constant 2 : i32
    %get3A_179 = arith.index_cast %get3A_178 : i32 to index
    %get3A_180 = arith.constant 16 : index
    %get3A_181 = tpu.vector_load %arg15[%get3A_179, %get3A_180] {strides = array<i32>} : memref<16x64xf32, #tpu.memory_space<vmem>>, vector<16xf32>,
    %add3A_182 = arith.addf %add3A_177, %get3A_181 : vector<16xf32>
    %get3A_183 = arith.constant 3 : i32
    %get3A_184 = arith.index_cast %get3A_183 : i32 to index
    %get3A_185 = arith.constant 16 : index
    %get3A_186 = tpu.vector_load %arg15[%get3A_184, %get3A_185] {strides = array<i32>} : memref<16x64xf32, #tpu.memory_space<vmem>>, vector<16xf32>,
    %add3A_187 = arith.addf %add3A_182, %get3A_186 : vector<16xf32>
    %get3A_188 = arith.constant 4 : i32
    %get3A_189 = arith.index_cast %get3A_188 : i32 to index
    %get3A_190 = arith.constant 16 : index
    %get3A_191 = tpu.vector_load %arg15[%get3A_189, %get3A_190] {strides = array<i32>} : memref<16x64xf32, #tpu.memory_space<vmem>>, vector<16xf32>,
    %add3A_192 = arith.addf %add3A_187, %get3A_191 : vector<16xf32>
    %get3A_193 = arith.constant 5 : i32
    %get3A_194 = arith.index_cast %get3A_193 : i32 to index
    %get3A_195 = arith.constant 16 : index
    %get3A_196 = tpu.vector_load %arg15[%get3A_194, %get3A_195] {strides = array<i32>} : memref<16x64xf32, #tpu.memory_space<vmem>>, vector<16xf32>,
    %add3A_197 = arith.addf %add3A_192, %get3A_196 : vector<16xf32>
    %get3A_198 = arith.constant 6 : i32
    %get3A_199 = arith.index_cast %get3A_198 : i32 to index
    %get3A_200 = arith.constant 16 : index
    %get3A_201 = tpu.vector_load %arg15[%get3A_199, %get3A_200] {strides = array<i32>} : memref<16x64xf32, #tpu.memory_space<vmem>>, vector<16xf32>,
    %add3A_202 = arith.addf %add3A_197, %get3A_201 : vector<16xf32>
    %get3A_203 = arith.constant 7 : i32
    %get3A_204 = arith.index_cast %get3A_203 : i32 to index
    %get3A_205 = arith.constant 16 : index
    %get3A_206 = tpu.vector_load %arg15[%get3A_204, %get3A_205] {strides = array<i32>} : memref<16x64xf32, #tpu.memory_space<vmem>>, vector<16xf32>,
    %add3A_207 = arith.addf %add3A_202, %get3A_206 : vector<16xf32>
    %get3A_208 = arith.constant 8 : i32
    %get3A_209 = arith.index_cast %get3A_208 : i32 to index
    %get3A_210 = arith.constant 16 : index
    %get3A_211 = tpu.vector_load %arg15[%get3A_209, %get3A_210] {strides = array<i32>} : memref<16x64xf32, #tpu.memory_space<vmem>>, vector<16xf32>,
    %add3A_212 = arith.addf %add3A_207, %get3A_211 : vector<16xf32>
    %get3A_213 = arith.constant 9 : i32
    %get3A_214 = arith.index_cast %get3A_213 : i32 to index
    %get3A_215 = arith.constant 16 : index
    %get3A_216 = tpu.vector_load %arg15[%get3A_214, %get3A_215] {strides = array<i32>} : memref<16x64xf32, #tpu.memory_space<vmem>>, vector<16xf32>,
    %add3A_217 = arith.addf %add3A_212, %get3A_216 : vector<16xf32>
    %get3A_218 = arith.constant 10 : i32
    %get3A_219 = arith.index_cast %get3A_218 : i32 to index
    %get3A_220 = arith.constant 16 : index
    %get3A_221 = tpu.vector_load %arg15[%get3A_219, %get3A_220] {strides = array<i32>} : memref<16x64xf32, #tpu.memory_space<vmem>>, vector<16xf32>,
    %add3A_222 = arith.addf %add3A_217, %get3A_221 : vector<16xf32>
    %get3A_223 = arith.constant 11 : i32
    %get3A_224 = arith.index_cast %get3A_223 : i32 to index
    %get3A_225 = arith.constant 16 : index
    %get3A_226 = tpu.vector_load %arg15[%get3A_224, %get3A_225] {strides = array<i32>} : memref<16x64xf32, #tpu.memory_space<vmem>>, vector<16xf32>,
    %add3A_227 = arith.addf %add3A_222, %get3A_226 : vector<16xf32>
    %get3A_228 = arith.constant 12 : i32
    %get3A_229 = arith.index_cast %get3A_228 : i32 to index
    %get3A_230 = arith.constant 16 : index
    %get3A_231 = tpu.vector_load %arg15[%get3A_229, %get3A_230] {strides = array<i32>} : memref<16x64xf32, #tpu.memory_space<vmem>>, vector<16xf32>,
    %add3A_232 = arith.addf %add3A_227, %get3A_231 : vector<16xf32>
    %get3A_233 = arith.constant 13 : i32
    %get3A_234 = arith.index_cast %get3A_233 : i32 to index
    %get3A_235 = arith.constant 16 : index
    %get3A_236 = tpu.vector_load %arg15[%get3A_234, %get3A_235] {strides = array<i32>} : memref<16x64xf32, #tpu.memory_space<vmem>>, vector<16xf32>,
    %add3A_237 = arith.addf %add3A_232, %get3A_236 : vector<16xf32>
    %get3A_238 = arith.constant 14 : i32
    %get3A_239 = arith.index_cast %get3A_238 : i32 to index
    %get3A_240 = arith.constant 16 : index
    %get3A_241 = tpu.vector_load %arg15[%get3A_239, %get3A_240] {strides = array<i32>} : memref<16x64xf32, #tpu.memory_space<vmem>>, vector<16xf32>,
    %add3A_242 = arith.addf %add3A_237, %get3A_241 : vector<16xf32>
    %get3A_243 = arith.constant 15 : i32
    %get3A_244 = arith.index_cast %get3A_243 : i32 to index
    %get3A_245 = arith.constant 16 : index
    %get3A_246 = tpu.vector_load %arg15[%get3A_244, %get3A_245] {strides = array<i32>} : memref<16x64xf32, #tpu.memory_space<vmem>>, vector<16xf32>,
    %add3A_247 = arith.addf %add3A_242, %get3A_246 : vector<16xf32>
    %max3A_248 = arith.constant 1.000000e+00 : f32
    %max3A_249 = vector.broadcast %max3A_248 : f32 to vector<16xf32>
    %max3A_250 = arith.maximumf %add3A_247, %max3A_249 : vector<16xf32>
    %div3A_251 = arith.constant 1.000000e+00 : f32
    %div3A_252 = vector.broadcast %div3A_251 : f32 to vector<16xf32>
    %div3A_253 = arith.divf %div3A_252, %max3A_250 : vector<16xf32>
    %add3A_254 = arith.constant 16 : i32
    %add3A_255 = vector.broadcast %add3A_254 : i32 to vector<16xi32>
    %add3A_256 = arith.addi %add3A_255, %iota3A : vector<16xi32>
    %broadcast_in_dim3A_257 = arith.constant 0 : i32
    %broadcast_in_dim3A_258 = vector.broadcast %broadcast_in_dim3A_257 : i32 to vector<16xi32>
    tpu.vector_store_idx %arg14[%add3A_256, %broadcast_in_dim3A_258], %div3A_253 : memref<64x16xf32, #tpu.memory_space<vmem>>[vector<16xi32>, vector<16xi32>], vector<16xf32>,
    %broadcast_in_dim3A_259 = arith.constant 1 : i32
    %broadcast_in_dim3A_260 = vector.broadcast %broadcast_in_dim3A_259 : i32 to vector<16xi32>
    tpu.vector_store_idx %arg14[%add3A_256, %broadcast_in_dim3A_260], %div3A_253 : memref<64x16xf32, #tpu.memory_space<vmem>>[vector<16xi32>, vector<16xi32>], vector<16xf32>,
    %broadcast_in_dim3A_261 = arith.constant 2 : i32
    %broadcast_in_dim3A_262 = vector.broadcast %broadcast_in_dim3A_261 : i32 to vector<16xi32>
    tpu.vector_store_idx %arg14[%add3A_256, %broadcast_in_dim3A_262], %div3A_253 : memref<64x16xf32, #tpu.memory_space<vmem>>[vector<16xi32>, vector<16xi32>], vector<16xf32>,
    %broadcast_in_dim3A_263 = arith.constant 3 : i32
    %broadcast_in_dim3A_264 = vector.broadcast %broadcast_in_dim3A_263 : i32 to vector<16xi32>
    tpu.vector_store_idx %arg14[%add3A_256, %broadcast_in_dim3A_264], %div3A_253 : memref<64x16xf32, #tpu.memory_space<vmem>>[vector<16xi32>, vector<16xi32>], vector<16xf32>,
    %broadcast_in_dim3A_265 = arith.constant 4 : i32
    %broadcast_in_dim3A_266 = vector.broadcast %broadcast_in_dim3A_265 : i32 to vector<16xi32>
    tpu.vector_store_idx %arg14[%add3A_256, %broadcast_in_dim3A_266], %div3A_253 : memref<64x16xf32, #tpu.memory_space<vmem>>[vector<16xi32>, vector<16xi32>], vector<16xf32>,
    %broadcast_in_dim3A_267 = arith.constant 5 : i32
    %broadcast_in_dim3A_268 = vector.broadcast %broadcast_in_dim3A_267 : i32 to vector<16xi32>
    tpu.vector_store_idx %arg14[%add3A_256, %broadcast_in_dim3A_268], %div3A_253 : memref<64x16xf32, #tpu.memory_space<vmem>>[vector<16xi32>, vector<16xi32>], vector<16xf32>,
    %broadcast_in_dim3A_269 = arith.constant 6 : i32
    %broadcast_in_dim3A_270 = vector.broadcast %broadcast_in_dim3A_269 : i32 to vector<16xi32>
    tpu.vector_store_idx %arg14[%add3A_256, %broadcast_in_dim3A_270], %div3A_253 : memref<64x16xf32, #tpu.memory_space<vmem>>[vector<16xi32>, vector<16xi32>], vector<16xf32>,
    %broadcast_in_dim3A_271 = arith.constant 7 : i32
    %broadcast_in_dim3A_272 = vector.broadcast %broadcast_in_dim3A_271 : i32 to vector<16xi32>
    tpu.vector_store_idx %arg14[%add3A_256, %broadcast_in_dim3A_272], %div3A_253 : memref<64x16xf32, #tpu.memory_space<vmem>>[vector<16xi32>, vector<16xi32>], vector<16xf32>,
    %broadcast_in_dim3A_273 = arith.constant 8 : i32
    %broadcast_in_dim3A_274 = vector.broadcast %broadcast_in_dim3A_273 : i32 to vector<16xi32>
    tpu.vector_store_idx %arg14[%add3A_256, %broadcast_in_dim3A_274], %div3A_253 : memref<64x16xf32, #tpu.memory_space<vmem>>[vector<16xi32>, vector<16xi32>], vector<16xf32>,
    %broadcast_in_dim3A_275 = arith.constant 9 : i32
    %broadcast_in_dim3A_276 = vector.broadcast %broadcast_in_dim3A_275 : i32 to vector<16xi32>
    tpu.vector_store_idx %arg14[%add3A_256, %broadcast_in_dim3A_276], %div3A_253 : memref<64x16xf32, #tpu.memory_space<vmem>>[vector<16xi32>, vector<16xi32>], vector<16xf32>,
    %broadcast_in_dim3A_277 = arith.constant 10 : i32
    %broadcast_in_dim3A_278 = vector.broadcast %broadcast_in_dim3A_277 : i32 to vector<16xi32>
    tpu.vector_store_idx %arg14[%add3A_256, %broadcast_in_dim3A_278], %div3A_253 : memref<64x16xf32, #tpu.memory_space<vmem>>[vector<16xi32>, vector<16xi32>], vector<16xf32>,
    %broadcast_in_dim3A_279 = arith.constant 11 : i32
    %broadcast_in_dim3A_280 = vector.broadcast %broadcast_in_dim3A_279 : i32 to vector<16xi32>
    tpu.vector_store_idx %arg14[%add3A_256, %broadcast_in_dim3A_280], %div3A_253 : memref<64x16xf32, #tpu.memory_space<vmem>>[vector<16xi32>, vector<16xi32>], vector<16xf32>,
    %broadcast_in_dim3A_281 = arith.constant 12 : i32
    %broadcast_in_dim3A_282 = vector.broadcast %broadcast_in_dim3A_281 : i32 to vector<16xi32>
    tpu.vector_store_idx %arg14[%add3A_256, %broadcast_in_dim3A_282], %div3A_253 : memref<64x16xf32, #tpu.memory_space<vmem>>[vector<16xi32>, vector<16xi32>], vector<16xf32>,
    %broadcast_in_dim3A_283 = arith.constant 13 : i32
    %broadcast_in_dim3A_284 = vector.broadcast %broadcast_in_dim3A_283 : i32 to vector<16xi32>
    tpu.vector_store_idx %arg14[%add3A_256, %broadcast_in_dim3A_284], %div3A_253 : memref<64x16xf32, #tpu.memory_space<vmem>>[vector<16xi32>, vector<16xi32>], vector<16xf32>,
    %broadcast_in_dim3A_285 = arith.constant 14 : i32
    %broadcast_in_dim3A_286 = vector.broadcast %broadcast_in_dim3A_285 : i32 to vector<16xi32>
    tpu.vector_store_idx %arg14[%add3A_256, %broadcast_in_dim3A_286], %div3A_253 : memref<64x16xf32, #tpu.memory_space<vmem>>[vector<16xi32>, vector<16xi32>], vector<16xf32>,
    %broadcast_in_dim3A_287 = arith.constant 15 : i32
    %broadcast_in_dim3A_288 = vector.broadcast %broadcast_in_dim3A_287 : i32 to vector<16xi32>
    tpu.vector_store_idx %arg14[%add3A_256, %broadcast_in_dim3A_288], %div3A_253 : memref<64x16xf32, #tpu.memory_space<vmem>>[vector<16xi32>, vector<16xi32>], vector<16xf32>,
    %get3A_289 = arith.constant 0 : i32
    %get3A_290 = arith.index_cast %get3A_289 : i32 to index
    %get3A_291 = arith.constant 32 : index
    %get3A_292 = tpu.vector_load %arg15[%get3A_290, %get3A_291] {strides = array<i32>} : memref<16x64xf32, #tpu.memory_space<vmem>>, vector<16xf32>,
    %get3A_293 = arith.constant 1 : i32
    %get3A_294 = arith.index_cast %get3A_293 : i32 to index
    %get3A_295 = arith.constant 32 : index
    %get3A_296 = tpu.vector_load %arg15[%get3A_294, %get3A_295] {strides = array<i32>} : memref<16x64xf32, #tpu.memory_space<vmem>>, vector<16xf32>,
    %add3A_297 = arith.addf %get3A_292, %get3A_296 : vector<16xf32>
    %get3A_298 = arith.constant 2 : i32
    %get3A_299 = arith.index_cast %get3A_298 : i32 to index
    %get3A_300 = arith.constant 32 : index
    %get3A_301 = tpu.vector_load %arg15[%get3A_299, %get3A_300] {strides = array<i32>} : memref<16x64xf32, #tpu.memory_space<vmem>>, vector<16xf32>,
    %add3A_302 = arith.addf %add3A_297, %get3A_301 : vector<16xf32>
    %get3A_303 = arith.constant 3 : i32
    %get3A_304 = arith.index_cast %get3A_303 : i32 to index
    %get3A_305 = arith.constant 32 : index
    %get3A_306 = tpu.vector_load %arg15[%get3A_304, %get3A_305] {strides = array<i32>} : memref<16x64xf32, #tpu.memory_space<vmem>>, vector<16xf32>,
    %add3A_307 = arith.addf %add3A_302, %get3A_306 : vector<16xf32>
    %get3A_308 = arith.constant 4 : i32
    %get3A_309 = arith.index_cast %get3A_308 : i32 to index
    %get3A_310 = arith.constant 32 : index
    %get3A_311 = tpu.vector_load %arg15[%get3A_309, %get3A_310] {strides = array<i32>} : memref<16x64xf32, #tpu.memory_space<vmem>>, vector<16xf32>,
    %add3A_312 = arith.addf %add3A_307, %get3A_311 : vector<16xf32>
    %get3A_313 = arith.constant 5 : i32
    %get3A_314 = arith.index_cast %get3A_313 : i32 to index
    %get3A_315 = arith.constant 32 : index
    %get3A_316 = tpu.vector_load %arg15[%get3A_314, %get3A_315] {strides = array<i32>} : memref<16x64xf32, #tpu.memory_space<vmem>>, vector<16xf32>,
    %add3A_317 = arith.addf %add3A_312, %get3A_316 : vector<16xf32>
    %get3A_318 = arith.constant 6 : i32
    %get3A_319 = arith.index_cast %get3A_318 : i32 to index
    %get3A_320 = arith.constant 32 : index
    %get3A_321 = tpu.vector_load %arg15[%get3A_319, %get3A_320] {strides = array<i32>} : memref<16x64xf32, #tpu.memory_space<vmem>>, vector<16xf32>,
    %add3A_322 = arith.addf %add3A_317, %get3A_321 : vector<16xf32>
    %get3A_323 = arith.constant 7 : i32
    %get3A_324 = arith.index_cast %get3A_323 : i32 to index
    %get3A_325 = arith.constant 32 : index
    %get3A_326 = tpu.vector_load %arg15[%get3A_324, %get3A_325] {strides = array<i32>} : memref<16x64xf32, #tpu.memory_space<vmem>>, vector<16xf32>,
    %add3A_327 = arith.addf %add3A_322, %get3A_326 : vector<16xf32>
    %get3A_328 = arith.constant 8 : i32
    %get3A_329 = arith.index_cast %get3A_328 : i32 to index
    %get3A_330 = arith.constant 32 : index
    %get3A_331 = tpu.vector_load %arg15[%get3A_329, %get3A_330] {strides = array<i32>} : memref<16x64xf32, #tpu.memory_space<vmem>>, vector<16xf32>,
    %add3A_332 = arith.addf %add3A_327, %get3A_331 : vector<16xf32>
    %get3A_333 = arith.constant 9 : i32
    %get3A_334 = arith.index_cast %get3A_333 : i32 to index
    %get3A_335 = arith.constant 32 : index
    %get3A_336 = tpu.vector_load %arg15[%get3A_334, %get3A_335] {strides = array<i32>} : memref<16x64xf32, #tpu.memory_space<vmem>>, vector<16xf32>,
    %add3A_337 = arith.addf %add3A_332, %get3A_336 : vector<16xf32>
    %get3A_338 = arith.constant 10 : i32
    %get3A_339 = arith.index_cast %get3A_338 : i32 to index
    %get3A_340 = arith.constant 32 : index
    %get3A_341 = tpu.vector_load %arg15[%get3A_339, %get3A_340] {strides = array<i32>} : memref<16x64xf32, #tpu.memory_space<vmem>>, vector<16xf32>,
    %add3A_342 = arith.addf %add3A_337, %get3A_341 : vector<16xf32>
    %get3A_343 = arith.constant 11 : i32
    %get3A_344 = arith.index_cast %get3A_343 : i32 to index
    %get3A_345 = arith.constant 32 : index
    %get3A_346 = tpu.vector_load %arg15[%get3A_344, %get3A_345] {strides = array<i32>} : memref<16x64xf32, #tpu.memory_space<vmem>>, vector<16xf32>,
    %add3A_347 = arith.addf %add3A_342, %get3A_346 : vector<16xf32>
    %get3A_348 = arith.constant 12 : i32
    %get3A_349 = arith.index_cast %get3A_348 : i32 to index
    %get3A_350 = arith.constant 32 : index
    %get3A_351 = tpu.vector_load %arg15[%get3A_349, %get3A_350] {strides = array<i32>} : memref<16x64xf32, #tpu.memory_space<vmem>>, vector<16xf32>,
    %add3A_352 = arith.addf %add3A_347, %get3A_351 : vector<16xf32>
    %get3A_353 = arith.constant 13 : i32
    %get3A_354 = arith.index_cast %get3A_353 : i32 to index
    %get3A_355 = arith.constant 32 : index
    %get3A_356 = tpu.vector_load %arg15[%get3A_354, %get3A_355] {strides = array<i32>} : memref<16x64xf32, #tpu.memory_space<vmem>>, vector<16xf32>,
    %add3A_357 = arith.addf %add3A_352, %get3A_356 : vector<16xf32>
    %get3A_358 = arith.constant 14 : i32
    %get3A_359 = arith.index_cast %get3A_358 : i32 to index
    %get3A_360 = arith.constant 32 : index
    %get3A_361 = tpu.vector_load %arg15[%get3A_359, %get3A_360] {strides = array<i32>} : memref<16x64xf32, #tpu.memory_space<vmem>>, vector<16xf32>,
    %add3A_362 = arith.addf %add3A_357, %get3A_361 : vector<16xf32>
    %get3A_363 = arith.constant 15 : i32
    %get3A_364 = arith.index_cast %get3A_363 : i32 to index
    %get3A_365 = arith.constant 32 : index
    %get3A_366 = tpu.vector_load %arg15[%get3A_364, %get3A_365] {strides = array<i32>} : memref<16x64xf32, #tpu.memory_space<vmem>>, vector<16xf32>,
    %add3A_367 = arith.addf %add3A_362, %get3A_366 : vector<16xf32>
    %max3A_368 = arith.constant 1.000000e+00 : f32
    %max3A_369 = vector.broadcast %max3A_368 : f32 to vector<16xf32>
    %max3A_370 = arith.maximumf %add3A_367, %max3A_369 : vector<16xf32>
    %div3A_371 = arith.constant 1.000000e+00 : f32
    %div3A_372 = vector.broadcast %div3A_371 : f32 to vector<16xf32>
    %div3A_373 = arith.divf %div3A_372, %max3A_370 : vector<16xf32>
    %add3A_374 = arith.constant 32 : i32
    %add3A_375 = vector.broadcast %add3A_374 : i32 to vector<16xi32>
    %add3A_376 = arith.addi %add3A_375, %iota3A : vector<16xi32>
    %broadcast_in_dim3A_377 = arith.constant 0 : i32
    %broadcast_in_dim3A_378 = vector.broadcast %broadcast_in_dim3A_377 : i32 to vector<16xi32>
    tpu.vector_store_idx %arg14[%add3A_376, %broadcast_in_dim3A_378], %div3A_373 : memref<64x16xf32, #tpu.memory_space<vmem>>[vector<16xi32>, vector<16xi32>], vector<16xf32>,
    %broadcast_in_dim3A_379 = arith.constant 1 : i32
    %broadcast_in_dim3A_380 = vector.broadcast %broadcast_in_dim3A_379 : i32 to vector<16xi32>
    tpu.vector_store_idx %arg14[%add3A_376, %broadcast_in_dim3A_380], %div3A_373 : memref<64x16xf32, #tpu.memory_space<vmem>>[vector<16xi32>, vector<16xi32>], vector<16xf32>,
    %broadcast_in_dim3A_381 = arith.constant 2 : i32
    %broadcast_in_dim3A_382 = vector.broadcast %broadcast_in_dim3A_381 : i32 to vector<16xi32>
    tpu.vector_store_idx %arg14[%add3A_376, %broadcast_in_dim3A_382], %div3A_373 : memref<64x16xf32, #tpu.memory_space<vmem>>[vector<16xi32>, vector<16xi32>], vector<16xf32>,
    %broadcast_in_dim3A_383 = arith.constant 3 : i32
    %broadcast_in_dim3A_384 = vector.broadcast %broadcast_in_dim3A_383 : i32 to vector<16xi32>
    tpu.vector_store_idx %arg14[%add3A_376, %broadcast_in_dim3A_384], %div3A_373 : memref<64x16xf32, #tpu.memory_space<vmem>>[vector<16xi32>, vector<16xi32>], vector<16xf32>,
    %broadcast_in_dim3A_385 = arith.constant 4 : i32
    %broadcast_in_dim3A_386 = vector.broadcast %broadcast_in_dim3A_385 : i32 to vector<16xi32>
    tpu.vector_store_idx %arg14[%add3A_376, %broadcast_in_dim3A_386], %div3A_373 : memref<64x16xf32, #tpu.memory_space<vmem>>[vector<16xi32>, vector<16xi32>], vector<16xf32>,
    %broadcast_in_dim3A_387 = arith.constant 5 : i32
    %broadcast_in_dim3A_388 = vector.broadcast %broadcast_in_dim3A_387 : i32 to vector<16xi32>
    tpu.vector_store_idx %arg14[%add3A_376, %broadcast_in_dim3A_388], %div3A_373 : memref<64x16xf32, #tpu.memory_space<vmem>>[vector<16xi32>, vector<16xi32>], vector<16xf32>,
    %broadcast_in_dim3A_389 = arith.constant 6 : i32
    %broadcast_in_dim3A_390 = vector.broadcast %broadcast_in_dim3A_389 : i32 to vector<16xi32>
    tpu.vector_store_idx %arg14[%add3A_376, %broadcast_in_dim3A_390], %div3A_373 : memref<64x16xf32, #tpu.memory_space<vmem>>[vector<16xi32>, vector<16xi32>], vector<16xf32>,
    %broadcast_in_dim3A_391 = arith.constant 7 : i32
    %broadcast_in_dim3A_392 = vector.broadcast %broadcast_in_dim3A_391 : i32 to vector<16xi32>
    tpu.vector_store_idx %arg14[%add3A_376, %broadcast_in_dim3A_392], %div3A_373 : memref<64x16xf32, #tpu.memory_space<vmem>>[vector<16xi32>, vector<16xi32>], vector<16xf32>,
    %broadcast_in_dim3A_393 = arith.constant 8 : i32
    %broadcast_in_dim3A_394 = vector.broadcast %broadcast_in_dim3A_393 : i32 to vector<16xi32>
    tpu.vector_store_idx %arg14[%add3A_376, %broadcast_in_dim3A_394], %div3A_373 : memref<64x16xf32, #tpu.memory_space<vmem>>[vector<16xi32>, vector<16xi32>], vector<16xf32>,
    %broadcast_in_dim3A_395 = arith.constant 9 : i32
    %broadcast_in_dim3A_396 = vector.broadcast %broadcast_in_dim3A_395 : i32 to vector<16xi32>
    tpu.vector_store_idx %arg14[%add3A_376, %broadcast_in_dim3A_396], %div3A_373 : memref<64x16xf32, #tpu.memory_space<vmem>>[vector<16xi32>, vector<16xi32>], vector<16xf32>,
    %broadcast_in_dim3A_397 = arith.constant 10 : i32
    %broadcast_in_dim3A_398 = vector.broadcast %broadcast_in_dim3A_397 : i32 to vector<16xi32>
    tpu.vector_store_idx %arg14[%add3A_376, %broadcast_in_dim3A_398], %div3A_373 : memref<64x16xf32, #tpu.memory_space<vmem>>[vector<16xi32>, vector<16xi32>], vector<16xf32>,
    %broadcast_in_dim3A_399 = arith.constant 11 : i32
    %broadcast_in_dim3A_400 = vector.broadcast %broadcast_in_dim3A_399 : i32 to vector<16xi32>
    tpu.vector_store_idx %arg14[%add3A_376, %broadcast_in_dim3A_400], %div3A_373 : memref<64x16xf32, #tpu.memory_space<vmem>>[vector<16xi32>, vector<16xi32>], vector<16xf32>,
    %broadcast_in_dim3A_401 = arith.constant 12 : i32
    %broadcast_in_dim3A_402 = vector.broadcast %broadcast_in_dim3A_401 : i32 to vector<16xi32>
    tpu.vector_store_idx %arg14[%add3A_376, %broadcast_in_dim3A_402], %div3A_373 : memref<64x16xf32, #tpu.memory_space<vmem>>[vector<16xi32>, vector<16xi32>], vector<16xf32>,
    %broadcast_in_dim3A_403 = arith.constant 13 : i32
    %broadcast_in_dim3A_404 = vector.broadcast %broadcast_in_dim3A_403 : i32 to vector<16xi32>
    tpu.vector_store_idx %arg14[%add3A_376, %broadcast_in_dim3A_404], %div3A_373 : memref<64x16xf32, #tpu.memory_space<vmem>>[vector<16xi32>, vector<16xi32>], vector<16xf32>,
    %broadcast_in_dim3A_405 = arith.constant 14 : i32
    %broadcast_in_dim3A_406 = vector.broadcast %broadcast_in_dim3A_405 : i32 to vector<16xi32>
    tpu.vector_store_idx %arg14[%add3A_376, %broadcast_in_dim3A_406], %div3A_373 : memref<64x16xf32, #tpu.memory_space<vmem>>[vector<16xi32>, vector<16xi32>], vector<16xf32>,
    %broadcast_in_dim3A_407 = arith.constant 15 : i32
    %broadcast_in_dim3A_408 = vector.broadcast %broadcast_in_dim3A_407 : i32 to vector<16xi32>
    tpu.vector_store_idx %arg14[%add3A_376, %broadcast_in_dim3A_408], %div3A_373 : memref<64x16xf32, #tpu.memory_space<vmem>>[vector<16xi32>, vector<16xi32>], vector<16xf32>,
    %get3A_409 = arith.constant 0 : i32
    %get3A_410 = arith.index_cast %get3A_409 : i32 to index
    %get3A_411 = arith.constant 48 : index
    %get3A_412 = tpu.vector_load %arg15[%get3A_410, %get3A_411] {strides = array<i32>} : memref<16x64xf32, #tpu.memory_space<vmem>>, vector<16xf32>,
    %get3A_413 = arith.constant 1 : i32
    %get3A_414 = arith.index_cast %get3A_413 : i32 to index
    %get3A_415 = arith.constant 48 : index
    %get3A_416 = tpu.vector_load %arg15[%get3A_414, %get3A_415] {strides = array<i32>} : memref<16x64xf32, #tpu.memory_space<vmem>>, vector<16xf32>,
    %add3A_417 = arith.addf %get3A_412, %get3A_416 : vector<16xf32>
    %get3A_418 = arith.constant 2 : i32
    %get3A_419 = arith.index_cast %get3A_418 : i32 to index
    %get3A_420 = arith.constant 48 : index
    %get3A_421 = tpu.vector_load %arg15[%get3A_419, %get3A_420] {strides = array<i32>} : memref<16x64xf32, #tpu.memory_space<vmem>>, vector<16xf32>,
    %add3A_422 = arith.addf %add3A_417, %get3A_421 : vector<16xf32>
    %get3A_423 = arith.constant 3 : i32
    %get3A_424 = arith.index_cast %get3A_423 : i32 to index
    %get3A_425 = arith.constant 48 : index
    %get3A_426 = tpu.vector_load %arg15[%get3A_424, %get3A_425] {strides = array<i32>} : memref<16x64xf32, #tpu.memory_space<vmem>>, vector<16xf32>,
    %add3A_427 = arith.addf %add3A_422, %get3A_426 : vector<16xf32>
    %get3A_428 = arith.constant 4 : i32
    %get3A_429 = arith.index_cast %get3A_428 : i32 to index
    %get3A_430 = arith.constant 48 : index
    %get3A_431 = tpu.vector_load %arg15[%get3A_429, %get3A_430] {strides = array<i32>} : memref<16x64xf32, #tpu.memory_space<vmem>>, vector<16xf32>,
    %add3A_432 = arith.addf %add3A_427, %get3A_431 : vector<16xf32>
    %get3A_433 = arith.constant 5 : i32
    %get3A_434 = arith.index_cast %get3A_433 : i32 to index
    %get3A_435 = arith.constant 48 : index
    %get3A_436 = tpu.vector_load %arg15[%get3A_434, %get3A_435] {strides = array<i32>} : memref<16x64xf32, #tpu.memory_space<vmem>>, vector<16xf32>,
    %add3A_437 = arith.addf %add3A_432, %get3A_436 : vector<16xf32>
    %get3A_438 = arith.constant 6 : i32
    %get3A_439 = arith.index_cast %get3A_438 : i32 to index
    %get3A_440 = arith.constant 48 : index
    %get3A_441 = tpu.vector_load %arg15[%get3A_439, %get3A_440] {strides = array<i32>} : memref<16x64xf32, #tpu.memory_space<vmem>>, vector<16xf32>,
    %add3A_442 = arith.addf %add3A_437, %get3A_441 : vector<16xf32>
    %get3A_443 = arith.constant 7 : i32
    %get3A_444 = arith.index_cast %get3A_443 : i32 to index
    %get3A_445 = arith.constant 48 : index
    %get3A_446 = tpu.vector_load %arg15[%get3A_444, %get3A_445] {strides = array<i32>} : memref<16x64xf32, #tpu.memory_space<vmem>>, vector<16xf32>,
    %add3A_447 = arith.addf %add3A_442, %get3A_446 : vector<16xf32>
    %get3A_448 = arith.constant 8 : i32
    %get3A_449 = arith.index_cast %get3A_448 : i32 to index
    %get3A_450 = arith.constant 48 : index
    %get3A_451 = tpu.vector_load %arg15[%get3A_449, %get3A_450] {strides = array<i32>} : memref<16x64xf32, #tpu.memory_space<vmem>>, vector<16xf32>,
    %add3A_452 = arith.addf %add3A_447, %get3A_451 : vector<16xf32>
    %get3A_453 = arith.constant 9 : i32
    %get3A_454 = arith.index_cast %get3A_453 : i32 to index
    %get3A_455 = arith.constant 48 : index
    %get3A_456 = tpu.vector_load %arg15[%get3A_454, %get3A_455] {strides = array<i32>} : memref<16x64xf32, #tpu.memory_space<vmem>>, vector<16xf32>,
    %add3A_457 = arith.addf %add3A_452, %get3A_456 : vector<16xf32>
    %get3A_458 = arith.constant 10 : i32
    %get3A_459 = arith.index_cast %get3A_458 : i32 to index
    %get3A_460 = arith.constant 48 : index
    %get3A_461 = tpu.vector_load %arg15[%get3A_459, %get3A_460] {strides = array<i32>} : memref<16x64xf32, #tpu.memory_space<vmem>>, vector<16xf32>,
    %add3A_462 = arith.addf %add3A_457, %get3A_461 : vector<16xf32>
    %get3A_463 = arith.constant 11 : i32
    %get3A_464 = arith.index_cast %get3A_463 : i32 to index
    %get3A_465 = arith.constant 48 : index
    %get3A_466 = tpu.vector_load %arg15[%get3A_464, %get3A_465] {strides = array<i32>} : memref<16x64xf32, #tpu.memory_space<vmem>>, vector<16xf32>,
    %add3A_467 = arith.addf %add3A_462, %get3A_466 : vector<16xf32>
    %get3A_468 = arith.constant 12 : i32
    %get3A_469 = arith.index_cast %get3A_468 : i32 to index
    %get3A_470 = arith.constant 48 : index
    %get3A_471 = tpu.vector_load %arg15[%get3A_469, %get3A_470] {strides = array<i32>} : memref<16x64xf32, #tpu.memory_space<vmem>>, vector<16xf32>,
    %add3A_472 = arith.addf %add3A_467, %get3A_471 : vector<16xf32>
    %get3A_473 = arith.constant 13 : i32
    %get3A_474 = arith.index_cast %get3A_473 : i32 to index
    %get3A_475 = arith.constant 48 : index
    %get3A_476 = tpu.vector_load %arg15[%get3A_474, %get3A_475] {strides = array<i32>} : memref<16x64xf32, #tpu.memory_space<vmem>>, vector<16xf32>,
    %add3A_477 = arith.addf %add3A_472, %get3A_476 : vector<16xf32>
    %get3A_478 = arith.constant 14 : i32
    %get3A_479 = arith.index_cast %get3A_478 : i32 to index
    %get3A_480 = arith.constant 48 : index
    %get3A_481 = tpu.vector_load %arg15[%get3A_479, %get3A_480] {strides = array<i32>} : memref<16x64xf32, #tpu.memory_space<vmem>>, vector<16xf32>,
    %add3A_482 = arith.addf %add3A_477, %get3A_481 : vector<16xf32>
    %get3A_483 = arith.constant 15 : i32
    %get3A_484 = arith.index_cast %get3A_483 : i32 to index
    %get3A_485 = arith.constant 48 : index
    %get3A_486 = tpu.vector_load %arg15[%get3A_484, %get3A_485] {strides = array<i32>} : memref<16x64xf32, #tpu.memory_space<vmem>>, vector<16xf32>,
    %add3A_487 = arith.addf %add3A_482, %get3A_486 : vector<16xf32>
    %max3A_488 = arith.constant 1.000000e+00 : f32
    %max3A_489 = vector.broadcast %max3A_488 : f32 to vector<16xf32>
    %max3A_490 = arith.maximumf %add3A_487, %max3A_489 : vector<16xf32>
    %div3A_491 = arith.constant 1.000000e+00 : f32
    %div3A_492 = vector.broadcast %div3A_491 : f32 to vector<16xf32>
    %div3A_493 = arith.divf %div3A_492, %max3A_490 : vector<16xf32>
    %add3A_494 = arith.constant 48 : i32
    %add3A_495 = vector.broadcast %add3A_494 : i32 to vector<16xi32>
    %add3A_496 = arith.addi %add3A_495, %iota3A : vector<16xi32>
    %broadcast_in_dim3A_497 = arith.constant 0 : i32
    %broadcast_in_dim3A_498 = vector.broadcast %broadcast_in_dim3A_497 : i32 to vector<16xi32>
    tpu.vector_store_idx %arg14[%add3A_496, %broadcast_in_dim3A_498], %div3A_493 : memref<64x16xf32, #tpu.memory_space<vmem>>[vector<16xi32>, vector<16xi32>], vector<16xf32>,
    %broadcast_in_dim3A_499 = arith.constant 1 : i32
    %broadcast_in_dim3A_500 = vector.broadcast %broadcast_in_dim3A_499 : i32 to vector<16xi32>
    tpu.vector_store_idx %arg14[%add3A_496, %broadcast_in_dim3A_500], %div3A_493 : memref<64x16xf32, #tpu.memory_space<vmem>>[vector<16xi32>, vector<16xi32>], vector<16xf32>,
    %broadcast_in_dim3A_501 = arith.constant 2 : i32
    %broadcast_in_dim3A_502 = vector.broadcast %broadcast_in_dim3A_501 : i32 to vector<16xi32>
    tpu.vector_store_idx %arg14[%add3A_496, %broadcast_in_dim3A_502], %div3A_493 : memref<64x16xf32, #tpu.memory_space<vmem>>[vector<16xi32>, vector<16xi32>], vector<16xf32>,
    %broadcast_in_dim3A_503 = arith.constant 3 : i32
    %broadcast_in_dim3A_504 = vector.broadcast %broadcast_in_dim3A_503 : i32 to vector<16xi32>
    tpu.vector_store_idx %arg14[%add3A_496, %broadcast_in_dim3A_504], %div3A_493 : memref<64x16xf32, #tpu.memory_space<vmem>>[vector<16xi32>, vector<16xi32>], vector<16xf32>,
    %broadcast_in_dim3A_505 = arith.constant 4 : i32
    %broadcast_in_dim3A_506 = vector.broadcast %broadcast_in_dim3A_505 : i32 to vector<16xi32>
    tpu.vector_store_idx %arg14[%add3A_496, %broadcast_in_dim3A_506], %div3A_493 : memref<64x16xf32, #tpu.memory_space<vmem>>[vector<16xi32>, vector<16xi32>], vector<16xf32>,
    %broadcast_in_dim3A_507 = arith.constant 5 : i32
    %broadcast_in_dim3A_508 = vector.broadcast %broadcast_in_dim3A_507 : i32 to vector<16xi32>
    tpu.vector_store_idx %arg14[%add3A_496, %broadcast_in_dim3A_508], %div3A_493 : memref<64x16xf32, #tpu.memory_space<vmem>>[vector<16xi32>, vector<16xi32>], vector<16xf32>,
    %broadcast_in_dim3A_509 = arith.constant 6 : i32
    %broadcast_in_dim3A_510 = vector.broadcast %broadcast_in_dim3A_509 : i32 to vector<16xi32>
    tpu.vector_store_idx %arg14[%add3A_496, %broadcast_in_dim3A_510], %div3A_493 : memref<64x16xf32, #tpu.memory_space<vmem>>[vector<16xi32>, vector<16xi32>], vector<16xf32>,
    %broadcast_in_dim3A_511 = arith.constant 7 : i32
    %broadcast_in_dim3A_512 = vector.broadcast %broadcast_in_dim3A_511 : i32 to vector<16xi32>
    tpu.vector_store_idx %arg14[%add3A_496, %broadcast_in_dim3A_512], %div3A_493 : memref<64x16xf32, #tpu.memory_space<vmem>>[vector<16xi32>, vector<16xi32>], vector<16xf32>,
    %broadcast_in_dim3A_513 = arith.constant 8 : i32
    %broadcast_in_dim3A_514 = vector.broadcast %broadcast_in_dim3A_513 : i32 to vector<16xi32>
    tpu.vector_store_idx %arg14[%add3A_496, %broadcast_in_dim3A_514], %div3A_493 : memref<64x16xf32, #tpu.memory_space<vmem>>[vector<16xi32>, vector<16xi32>], vector<16xf32>,
    %broadcast_in_dim3A_515 = arith.constant 9 : i32
    %broadcast_in_dim3A_516 = vector.broadcast %broadcast_in_dim3A_515 : i32 to vector<16xi32>
    tpu.vector_store_idx %arg14[%add3A_496, %broadcast_in_dim3A_516], %div3A_493 : memref<64x16xf32, #tpu.memory_space<vmem>>[vector<16xi32>, vector<16xi32>], vector<16xf32>,
    %broadcast_in_dim3A_517 = arith.constant 10 : i32
    %broadcast_in_dim3A_518 = vector.broadcast %broadcast_in_dim3A_517 : i32 to vector<16xi32>
    tpu.vector_store_idx %arg14[%add3A_496, %broadcast_in_dim3A_518], %div3A_493 : memref<64x16xf32, #tpu.memory_space<vmem>>[vector<16xi32>, vector<16xi32>], vector<16xf32>,
    %broadcast_in_dim3A_519 = arith.constant 11 : i32
    %broadcast_in_dim3A_520 = vector.broadcast %broadcast_in_dim3A_519 : i32 to vector<16xi32>
    tpu.vector_store_idx %arg14[%add3A_496, %broadcast_in_dim3A_520], %div3A_493 : memref<64x16xf32, #tpu.memory_space<vmem>>[vector<16xi32>, vector<16xi32>], vector<16xf32>,
    %broadcast_in_dim3A_521 = arith.constant 12 : i32
    %broadcast_in_dim3A_522 = vector.broadcast %broadcast_in_dim3A_521 : i32 to vector<16xi32>
    tpu.vector_store_idx %arg14[%add3A_496, %broadcast_in_dim3A_522], %div3A_493 : memref<64x16xf32, #tpu.memory_space<vmem>>[vector<16xi32>, vector<16xi32>], vector<16xf32>,
    %broadcast_in_dim3A_523 = arith.constant 13 : i32
    %broadcast_in_dim3A_524 = vector.broadcast %broadcast_in_dim3A_523 : i32 to vector<16xi32>
    tpu.vector_store_idx %arg14[%add3A_496, %broadcast_in_dim3A_524], %div3A_493 : memref<64x16xf32, #tpu.memory_space<vmem>>[vector<16xi32>, vector<16xi32>], vector<16xf32>,
    %broadcast_in_dim3A_525 = arith.constant 14 : i32
    %broadcast_in_dim3A_526 = vector.broadcast %broadcast_in_dim3A_525 : i32 to vector<16xi32>
    tpu.vector_store_idx %arg14[%add3A_496, %broadcast_in_dim3A_526], %div3A_493 : memref<64x16xf32, #tpu.memory_space<vmem>>[vector<16xi32>, vector<16xi32>], vector<16xf32>,
    %broadcast_in_dim3A_527 = arith.constant 15 : i32
    %broadcast_in_dim3A_528 = vector.broadcast %broadcast_in_dim3A_527 : i32 to vector<16xi32>
    tpu.vector_store_idx %arg14[%add3A_496, %broadcast_in_dim3A_528], %div3A_493 : memref<64x16xf32, #tpu.memory_space<vmem>>[vector<16xi32>, vector<16xi32>], vector<16xf32>,
    %scan3A_529 = arith.constant 0 : i32
    %scan3A_530 = arith.constant 0 : i32
    %scan3A_531 = arith.constant 64 : i32
    %scan3A_532 = arith.addi %scan3A_530, %scan3A_531 : i32
    %scan3A_533 = arith.constant 1 : i32
    %scan3A_534 = scf.for %scan3A_536 = %scan3A_530 to %scan3A_532 step %scan3A_533 iter_args(%scan3A_537 = %scan3A_529) -> (i32)  : i32 {
      %get3A_538 = arith.index_cast %scan3A_536 : i32 to index
      %get3A_539 = arith.constant 0 : index
      %get3A_540 = tpu.vector_load %arg14[%get3A_538, %get3A_539] {strides = array<i32>} : memref<64x16xf32, #tpu.memory_space<vmem>>, vector<16xf32>,
      %get3A_541 = arith.index_cast %scan3A_536 : i32 to index
      %get3A_542 = arith.constant 0 : index
      %get3A_543 = tpu.vector_load %arg13[%get3A_541, %get3A_542] {strides = array<i32>} : memref<64x64xf32, #tpu.memory_space<vmem>>, vector<16xf32>,
      %mul3A_544 = arith.mulf %get3A_543, %get3A_540 : vector<16xf32>
      %swap3A = arith.index_cast %scan3A_536 : i32 to index
      %swap3A_545 = arith.constant 0 : index
      %swap3A_546 = tpu.vector_load %arg13[%swap3A, %swap3A_545] {strides = array<i32>} : memref<64x64xf32, #tpu.memory_space<vmem>>, vector<16xf32>,
      tpu.vector_store %arg13[%swap3A, %swap3A_545], %mul3A_544 {strides = array<i32>} : memref<64x64xf32, #tpu.memory_space<vmem>>, vector<16xf32>,
      %get3A_547 = arith.index_cast %scan3A_536 : i32 to index
      %get3A_548 = arith.constant 16 : index
      %get3A_549 = tpu.vector_load %arg13[%get3A_547, %get3A_548] {strides = array<i32>} : memref<64x64xf32, #tpu.memory_space<vmem>>, vector<16xf32>,
      %mul3A_550 = arith.mulf %get3A_549, %get3A_540 : vector<16xf32>
      %swap3A_551 = arith.index_cast %scan3A_536 : i32 to index
      %swap3A_552 = arith.constant 16 : index
      %swap3A_553 = tpu.vector_load %arg13[%swap3A_551, %swap3A_552] {strides = array<i32>} : memref<64x64xf32, #tpu.memory_space<vmem>>, vector<16xf32>,
      tpu.vector_store %arg13[%swap3A_551, %swap3A_552], %mul3A_550 {strides = array<i32>} : memref<64x64xf32, #tpu.memory_space<vmem>>, vector<16xf32>,
      %get3A_554 = arith.index_cast %scan3A_536 : i32 to index
      %get3A_555 = arith.constant 32 : index
      %get3A_556 = tpu.vector_load %arg13[%get3A_554, %get3A_555] {strides = array<i32>} : memref<64x64xf32, #tpu.memory_space<vmem>>, vector<16xf32>,
      %mul3A_557 = arith.mulf %get3A_556, %get3A_540 : vector<16xf32>
      %swap3A_558 = arith.index_cast %scan3A_536 : i32 to index
      %swap3A_559 = arith.constant 32 : index
      %swap3A_560 = tpu.vector_load %arg13[%swap3A_558, %swap3A_559] {strides = array<i32>} : memref<64x64xf32, #tpu.memory_space<vmem>>, vector<16xf32>,
      tpu.vector_store %arg13[%swap3A_558, %swap3A_559], %mul3A_557 {strides = array<i32>} : memref<64x64xf32, #tpu.memory_space<vmem>>, vector<16xf32>,
      %get3A_561 = arith.index_cast %scan3A_536 : i32 to index
      %get3A_562 = arith.constant 48 : index
      %get3A_563 = tpu.vector_load %arg13[%get3A_561, %get3A_562] {strides = array<i32>} : memref<64x64xf32, #tpu.memory_space<vmem>>, vector<16xf32>,
      %mul3A_564 = arith.mulf %get3A_563, %get3A_540 : vector<16xf32>
      %swap3A_565 = arith.index_cast %scan3A_536 : i32 to index
      %swap3A_566 = arith.constant 48 : index
      %swap3A_567 = tpu.vector_load %arg13[%swap3A_565, %swap3A_566] {strides = array<i32>} : memref<64x64xf32, #tpu.memory_space<vmem>>, vector<16xf32>,
      tpu.vector_store %arg13[%swap3A_565, %swap3A_566], %mul3A_564 {strides = array<i32>} : memref<64x64xf32, #tpu.memory_space<vmem>>, vector<16xf32>,
      %scan3A_568 = arith.constant 0 : i32
      scf.yield %scan3A_568 : i32
    }
    %scan3A_535 = arith.constant 64 : i32
    "tpu.region"() ({
      %run_scoped3A = tpu.sem_alloc : memref<!tpu.dma_semaphore, #tpu.memory_space<semaphore_mem>>
      %dma_start3A_536 = tpu.memref_slice %arg5[%mul3A_2, %mul3A_0] : memref<1024x256xf32, #tpu.memory_space<hbm>> -> memref<64x64xf32, #tpu.memory_space<hbm>>
      %dma_start3A_537 = tpu.memref_slice %arg5[%mul3A_2, %mul3A_0] : memref<1024x256xf32, #tpu.memory_space<hbm>> -> memref<64x64xf32, #tpu.memory_space<hbm>>
      tpu.enqueue_dma source(%arg13 : memref<64x64xf32, #tpu.memory_space<vmem>>) target(%dma_start3A_537 : memref<64x64xf32, #tpu.memory_space<hbm>>) target_semaphore(%run_scoped3A : memref<!tpu.dma_semaphore, #tpu.memory_space<semaphore_mem>>)
      %dma_wait3A_538 = tpu.memref_slice %arg5[%mul3A_2, %mul3A_0] : memref<1024x256xf32, #tpu.memory_space<hbm>> -> memref<64x64xf32, #tpu.memory_space<hbm>>
      %dma_wait3A_539 = tpu.memref_slice %arg5[%mul3A_2, %mul3A_0] : memref<1024x256xf32, #tpu.memory_space<hbm>> -> memref<64x64xf32, #tpu.memory_space<hbm>>
      tpu.wait_dma2 semaphore(%run_scoped3A : memref<!tpu.dma_semaphore, #tpu.memory_space<semaphore_mem>>) src(%arg13 : memref<64x64xf32, #tpu.memory_space<vmem>>) dst(%dma_wait3A_539 : memref<64x64xf32, #tpu.memory_space<hbm>>)
      tpu.yield
    }) : () -> ()
    return
  }
}

</mosaic_0001>

<sc_bundles>
// kernel: kernel.3.cloned.1.call-start
scs
__scs_entry_jumppad:
0x0: {  	(pc) =	sbr.rel $0x88, $3  }
0x1: {  	(tag) =	ssettag $0x0;
	lr =	simm.s32 $0x1  }
0x2: {  	[smem:$0x3F9E] =	sst lr;
	_ =	strace $0xD0000000  }
0x3: {  	_ = 	snop  }
0x4: {  	_ = 	snop  }
0x5: {  	_ = 	snop  }
0x6: {  	_ = 	snop  }
0x7: {  	_ = 	snop  }
__scs_overlays_trampoline_lowered:
0x8: {  	[smem:$0x3FAD] =	sst s0  }
0x9: {  	[smem:$0x3FAE] =	sst s1  }
0xa: {  	[smem:$0x3FAF] =	sst s2  }
0xb: {  	[smem:$0x3FB0] =	sst s3  }
0xc: {  	[smem:$0x3FB1] =	sst s4  }
0xd: {  	[smem:$0x3FB2] =	sst s5  }
0xe: {  	[smem:$0x3FB3] =	sst s6  }
0xf: {  	[smem:$0x3FB4] =	sst s7  }
0x10: {  	[smem:$0x3FB5] =	sst s8  }
0x11: {  	[smem:$0x3FB6] =	sst s9;
	s0 =	simm.s32 @!p0 $0x0  }
0x12: {  	s1 =	sld [smem:$0x3F9C];
	s0 =	simm.s32 @p0 $0x1  }
0x13: {  	[smem:$0x3FB7] =	sst s0;
	s0 =	simm.s32 @!p1 $0x0  }
0x14: {  	s2 =	sld [smem:$0x3F9B];
	s0 =	simm.s32 @p1 $0x1  }
0x15: {  	[smem:$0x3FB8] =	sst s0;
	s0 =	simm.s32 @!p2 $0x0  }
0x16: {  	s3 =	sld [smem:$0x3FDB];
	s0 =	simm.s32 @p2 $0x1  }
0x17: {  	s4 =	simm.s32 $0x1BF5;
	[smem:$0x3FBA] =	sst s0  }
0x18: {  	s0 =	sld [smem:$0x3F9D];
	_ =	swait.ge [sflag:s4], $0x0  }
0x19: {  	s7 =	sld [smem:$0x3F9E]  }
0x1a: {  	s8 =	sadd.s32 $0xFFFFE003, lr  }
0x1b: {  	s9 =	sadd.s32 $0xFFFFFEF7, lr;
	s5 =	simm.s32 $0xFFFFFFFF;
	p2 =	slt.u32 s8, $0xFFFFF086  }
0x1c: {  	p1 =	slt.u32 s9, $0xF7A;
	s5 =	simm.s32 @!p2 $0x0  }
0x1d: {  	s5 =	simm.s32 @p1 $0x1;
	p0 =	seq.s32 s7, s2  }
0x1e: {  	s7 =	smul.u32 @!p0 $0xF7A, s2;
	p2 =	seq.s32 @!p0 s5, $0x0  }
0x1f: {  	s9 =	smul.u32 $0xF7A, s1;
	s8 =	simm.s32 @!p0 $0x1BF5;
	p2 =	por !p2, p0  }
0x20: {  	[sflag:s8] =	ssyncset.s32 @!p0 $0xFFFFF086;
	s6 =	sadd.s32 @!p0 s3, s7;
	s7 =	simm.s32 @!p0 $0x108  }
0x21: {  	s3 =	sadd.s32 s3, s9;
	s6 =	sadd.s32 @!p0 $0x88, s6;
	s7 =	simm.s32 @p2 $0x1082  }
0x22: {  	[simem:s7], [sflag:s8] =	dma.local @!p0 [hbm:s6], $0xF7A  }
0x23: {  	s9 =	sor.u32 $0xD0000000, s2;
	s6 =	simm.s32 $0x108;
	_ =	swait.ge @!p0 [sflag:s8], $0x0  }
0x24: {  	s3 =	sadd.s32 $0x88, s3;
	s6 =	simm.s32 @!p1 $0x1082;
	[sflag:s4] =	ssyncset.s32 $0xFFFFF086  }
0x25: {  	[simem:s6], [sflag:s4] =	dma.local [hbm:s3], $0xF7A  }
0x26: {  	[smem:$0x3F9E] =	sst s1;
	(tag) =	ssettag s2;
	_ =	strace s9  }
0x27: {  	s1 =	sld [smem:$0x3FAE]  }
0x28: {  	s2 =	sld [smem:$0x3FAF]  }
0x29: {  	s4 =	sld [smem:$0x3FB1]  }
0x2a: {  	p0 =	seq.s32 s5, $0x0;
	s5 =	sld [smem:$0x3FB2]  }
0x2b: {  	s6 =	sld [smem:$0x3FB3]  }
0x2c: {  	s7 =	sld [smem:$0x3FB4]  }
0x2d: {  	s3 =	simm.s32 $0x108;
	s8 =	sld [smem:$0x3FB5]  }
0x2e: {  	s3 =	simm.s32 @!p0 $0x1082;
	s9 =	sld [smem:$0x3FB6]  }
0x2f: {  	lr =	sadd.s32 s0, s3;
	s0 =	sld [smem:$0x3FAD]  }
0x30: {  	s3 =	sld [smem:$0x3FB0]  }
0x31: {  	[smem:$0x3FB9] =	sst s10  }
0x32: {  	s10 =	sld [smem:$0x3FB7];
	_ =	sdelay $0x3  }
0x33: {  	p0 =	seq.s32 s10, $0x1;
	s10 =	sld [smem:$0x3FB9];
	_ =	sdelay $0x3  }
0x34: {  	[smem:$0x3FB9] =	sst s10  }
0x35: {  	s10 =	sld [smem:$0x3FB8];
	_ =	sdelay $0x3  }
0x36: {  	p1 =	seq.s32 s10, $0x1;
	s10 =	sld [smem:$0x3FB9];
	_ =	sdelay $0x3  }
0x37: {  	[smem:$0x3FB9] =	sst s10  }
0x38: {  	s10 =	sld [smem:$0x3FBA]  }
0x39: {  	_ = 	snop;
	(pc) =	sbr.ind lr, $3  }
0x3a: {  	_ = 	snop  }
0x3b: {  	_ = 	snop  }
0x3c: {  	p2 =	seq.s32 s10, $0x1;
	s10 =	sld [smem:$0x3FB9]  }
0x3d: {  	_ =	shalt  }
0x3e: {  	_ =	shalt  }
0x3f: {  	_ =	shalt  }
0x40: {  	_ =	shalt  }
0x41: {  	_ =	shalt  }
0x42: {  	_ =	shalt  }
0x43: {  	_ =	shalt  }
0x44: {  	_ =	shalt  }
0x45: {  	_ =	shalt  }
0x46: {  	_ =	shalt  }
0x47: {  	_ =	shalt  }
0x48: {  	_ =	shalt  }
0x49: {  	_ =	shalt  }
0x4a: {  	_ =	shalt  }
0x4b: {  	_ =	shalt  }
0x4c: {  	_ =	shalt  }
0x4d: {  	_ =	shalt  }
0x4e: {  	_ =	shalt  }
0x4f: {  	_ =	shalt  }
0x50: {  	_ =	shalt  }
0x51: {  	_ =	shalt  }
0x52: {  	_ =	shalt  }
0x53: {  	_ =	shalt  }
0x54: {  	_ =	shalt  }
0x55: {  	_ =	shalt  }
0x56: {  	_ =	shalt  }
0x57: {  	_ =	shalt  }
0x58: {  	_ =	shalt  }
0x59: {  	_ =	shalt  }
0x5a: {  	_ =	shalt  }
0x5b: {  	_ =	shalt  }
0x5c: {  	_ =	shalt  }
0x5d: {  	_ =	shalt  }
0x5e: {  	_ =	shalt  }
0x5f: {  	_ =	shalt  }
0x60: {  	_ =	shalt  }
0x61: {  	_ =	shalt  }
0x62: {  	_ =	shalt  }
0x63: {  	_ =	shalt  }
0x64: {  	_ =	shalt  }
0x65: {  	_ =	shalt  }
0x66: {  	_ =	shalt  }
0x67: {  	_ =	shalt  }
0x68: {  	_ =	shalt  }
0x69: {  	_ =	shalt  }
0x6a: {  	_ =	shalt  }
0x6b: {  	_ =	shalt  }
0x6c: {  	_ =	shalt  }
0x6d: {  	_ =	shalt  }
0x6e: {  	_ =	shalt  }
0x6f: {  	_ =	shalt  }
0x70: {  	_ =	shalt  }
0x71: {  	_ =	shalt  }
0x72: {  	_ =	shalt  }
0x73: {  	_ =	shalt  }
0x74: {  	_ =	shalt  }
0x75: {  	_ =	shalt  }
0x76: {  	_ =	shalt  }
0x77: {  	_ =	shalt  }
0x78: {  	_ =	shalt  }
0x79: {  	_ =	shalt  }
0x7a: {  	_ =	shalt  }
0x7b: {  	_ =	shalt  }
0x7c: {  	_ =	shalt  }
0x7d: {  	_ =	shalt  }
0x7e: {  	_ =	shalt  }
0x7f: {  	_ =	shalt  }
0x80: {  	_ =	shalt  }
0x81: {  	_ =	shalt  }
0x82: {  	_ =	shalt  }
0x83: {  	_ =	shalt  }
0x84: {  	_ =	shalt  }
0x85: {  	_ =	shalt  }
0x86: {  	_ =	shalt  }
0x87: {  	_ =	shalt  }
.Lfunc_end0:
.L_simem_size_0:
called_computation_lowered:
.L_overlay_start_0:
0x88: {  	s2 =	sld [smem:$0x3FD9]  }
0x89: {  	s3 =	sld [smem:$0x3FFE];
	_ =	sdelay $0x1  }
0x8a: {  	s1 =	srdreg.scid  }
0x8b: {  	s0 =	sand.u32 $0x1, s1  }
0x8c: {  	s17 =	sshll.u32 s0, $0xA;
	s2 =	sadd.s32 s3, s2  }
0x8d: {  	s2 =	sadd.s32 s2, s17  }
0x8e: {  	[smem:$0x3FC5] =	sst s2  }
0x8f: {  	_ = 	snop  }
0x90: {  	s2 =	sld [smem:$0x3FC9]  }
0x91: {  	s18 =	sld [smem:$0x3FC8]  }
0x92: {  	s4 =	sld [smem:$0x3FC7];
	(tm) =	ssettm $0x1  }
0x93: {  	s5 =	sld [smem:$0x3FFB];
	_ =	sdelay $0x3  }
0x94: {  	_ =	strace s5  }
0x95: {  	s5 =	sld [smem:$0x3FFC];
	_ =	sdelay $0x3  }
0x96: {  	_ =	strace s5  }
0x97: {  	s5 =	sld [smem:$0x3FFD];
	_ =	sdelay $0x3  }
0x98: {  	_ =	strace s5  }
0x99: {  	_ =	strace $0x8FFFFFFF  }
0x9a: {  	s19 =	sld [smem:$0x3FDB];
	_ =	sdelay $0x1  }
0x9b: {  	s6 =	simm.s32 $_scs_section_size  }
0x9c: {  	s7 =	simm.s32 $_size__tile_overlayer_lowered;
	s8 =	simm.s32 $_tile_overlayer_lowered  }
0x9d: {  	s22 =	simm.s32 $0x1BFF;
	s21 =	sshll.u32 s8, $0x1;
	s5 =	sadd.s32 s6, s19  }
0x9e: {  	s9 =	simm.s32 $0x0;
	s20 =	sshll.u32 s7, $0x1;
	s7 =	sadd.s32 s21, s5  }
0x9f: {  	[timem:s9], [sflag:s22] =	dma.local [hbm:s7], s20  }
0xa0: {  	_ =	swait.ge [sflag:s22], s20  }
0xa1: {  	s6 =	ssub.s32 $0x0, s20;
	[sflag:s22] =	ssyncset.done $0x0  }
0xa2: {  	[sflag:s22] =	ssyncadd.s32 s6;
	_ =	sdelay $0x1  }
0xa3: {  	s23 =	simm.s32 $0x1B8B  }
0xa4: {  	_ =	swait.ge [sflag:s23], $0x1  }
0xa5: {  	[sflag:s23] =	ssyncset.done $0x0  }
0xa6: {  	s25 =	simm.s32 $0x1B8E;
	s24 =	sld [smem:$0x3FFE];
	[sflag:s23] =	ssyncadd.s32 $0xFFFFFFFF  }
0xa7: {  	s26 =	simm.s32 $execute0_lowered;
	[smem:$0x3FD2] =	sst s25  }
0xa8: {  	s7 =	sshll.u32 s26, $0x1;
	_ =	strace $0x80000046;
	[dreg:$0x1] =	wrdreg $0xFFFFFFFF  }
0xa9: {  	s28 =	simm.s32 $_size_execute0_lowered;
	s5 =	sadd.s32 s5, s7;
	[dreg:$0x0] =	wrdreg $0x0  }
0xaa: {  	s7 =	sshll.u32 s28, $0x1;
	[dreg:$0x2] =	wrdreg s5  }
0xab: {  	[dreg:$0x3] =	wrdreg s7  }
0xac: {  	[dreg:$0x4] =	wrdreg $0xC0  }
0xad: {  	_ =	task [dreg:s9], $0x5FFFF  }
0xae: {  	[dreg:$0x1] =	wrdreg $0xFFFFFFFF  }
0xaf: {  	[dreg:$0x0] =	wrdreg $0x60  }
0xb0: {  	[dreg:$0x2] =	wrdreg s2  }
0xb1: {  	[dreg:$0x3] =	wrdreg s18  }
0xb2: {  	[dreg:$0x4] =	wrdreg s4  }
0xb3: {  	[dreg:$0x5] =	wrdreg s24  }
0xb4: {  	[dreg:$0x6] =	wrdreg $0x95A00  }
0xb5: {  	[dreg:$0x7] =	wrdreg $0xA5A00  }
0xb6: {  	[dreg:$0x8] =	wrdreg $0x9  }
0xb7: {  	_ =	task.clear_ibuf [dreg:s9], $0x9FFFF;
	_ =	strace $0x90000046  }
0xb8: {  	s29 =	simm.s32 $0x9;
	_ =	strace $0x80000048  }
0xb9: {  	_ =	swait.ge [sflag:s29], $0x1  }
0xba: {  	[sflag:s29] =	ssyncadd.s32 $0xFFFFFFFF  }
0xbb: {  	_ =	strace $0x90000048  }
0xbc: {  	_ =	sfence  }
0xbd: {  	s30 =	sld [smem:$0x0];
	_ =	sdelay $0x2  }
0xbe: {  	s31 =	sshll.u32 s1, $0xD;
	s1 =	sshrl.u32 s1, $0x2  }
0xbf: {  	s3 =	sand.u32 $0x4000, s31;
	s1 =	sadd.s32 s1, s30  }
0xc0: {  	s0 =	sor.u32 s3, s0;
	s1 =	sshll.u32 s1, $0x11  }
0xc1: {  	s0 =	sor.u32 s1, s0  }
0xc2: {  	s0 =	sadd.s32 $0x8F2B, s0  }
0xc3: {  	[sflag:s0] =	ssyncadd.remote.s32 $0x1  }
0xc4: {  	_ =	sfence.sel $0xFFFF  }
0xc5: {  	[dreg:$0x0] =	wrdreg $0xFFFFFFFF;
	(pc) =	sbr.abs _section_cstart, $3  }
0xc6: {  	[dreg:$0x1] =	wrdreg $0xFFFFFFFF  }
0xc7: {  	_ =	task.clear_ibuf [dreg:s9], $0x2FFFF;
	_ =	strace $0x9FFFFFFF  }
0xc8: {  	(tm) =	ssettm $0x7FFFFFFF  }
0xc9: {  	_ =	shalt  }
tec
execute0_lowered:
.L_overlay_start_1:
0x0: {  	(tag) =	ssettag $0x1  }
0x1: {  	s1 =	rddreg [dreg:$0x0]  }
0x2: {  	s0 =	rddreg [dreg:$0x1]  }
0x3: {  	s5 =	rddreg [dreg:$0x2]  }
0x4: {  	s6 =	rddreg [dreg:$0x3]  }
0x5: {  	s2 =	rddreg [dreg:$0x4]  }
0x6: {  	s7 =	rddreg [dreg:$0x5]  }
0x7: {  	s3 =	simm.s32 $0x0;
	s4 =	srdreg.scid;
	s28 =	simm.s32 $0x2180  }
0x8: {  	s29 =	simm.s32 $0x1;
	s30 =	simm.s32 $0x4;
	s31 =	simm.s32 $0x6180  }
0x9: {  	[smem:$0x7FF] =	sst s3;
	s9 =	sand.u32 $0x1, s4;
	s4 =	stileid.u32  }
0xa: {  	s6 =	sadd.s32 $0x400, s6;
	_ =	strace $0x80000047;
	s8 =	ssub.s32 $0x2, s9  }
0xb: {  	s11 =	sshll.u32 s9, $0x9;
	s12 =	sshll.u32 s4, $0x5;
	s22 =	sshll.u32 s9, $0x6  }
0xc: {  	s13 =	sshll.u32 s4, $0xE;
	s23 =	sshll.u32 s4, $0x4;
	s9 =	sshll.u32 s9, $0x3  }
0xd: {  	s17 =	sshll.u32 s4, $0xA;
	s19 =	sshll.u32 s4, $0x6;
	p0 =	sne.s32 s4, $0xF  }
0xe: {  	s10 =	sshrl.u32 s8, $0x1;
	s11 =	sor.u32 s12, s11;
	s12 =	sor.u32 s22, s13  }
0xf: {  	s14 =	sadd.s32 s0, s23;
	s25 =	sshrl.u32 s13, $0x2;
	s0 =	sadd.s32 $0x30D0, s0  }
0x10: {  	s15 =	sadd.s32 s9, s1;
	s13 =	simm.s32 $0x6;
	s10 =	ssub.s32 s8, s10  }
0x11: {  	s21 =	sshll.u32 s11, $0x4;
	s24 =	sshrl.u32 s12, $0x3;
	s8 =	sadd.s32 s25, s2  }
0x12: {  	[dreg:$0xa] =	wrdreg s0;
	s16 =	sshll.u32 s11, $0x5;
	s0 =	sadd.s32 $0x186800, s15  }
0x13: {  	[dreg:$0x8] =	wrdreg s14;
	s22 =	sadd.s32 $0x300, s14;
	s23 =	sor.u32 $0x80000, s12  }
0x14: {  	s25 =	sor.u32 $0xC0000, s12;
	s11 =	simm.s32 $0x7;
	s14 =	simm.s32 $0x7580  }
0x15: {  	s15 =	simm.s32 $0x0;
	s5 =	sadd.s32 s5, s21;
	[dreg:$0xb] =	wrdreg s0  }
0x16: {  	s26 =	sadd.s32 s1, s24;
	s9 =	sadd.s32 s16, s6;
	[dreg:$0x11] =	wrdreg s22  }
0x17: {  	s0 =	sadd.s32 s17, s7;
	s20 =	sadd.s32 s6, s24;
	[dreg:$0x12] =	wrdreg s25  }
0x18: {  	s21 =	smax.u32 s10, $0x1;
	s24 =	sor.u32 $0x40000, s12;
	[dreg:$0x7] =	wrdreg s5  }
0x19: {  	s22 =	simm.s32 $0x80;
	s25 =	simm.s32 $0xB;
	[dreg:$0x9] =	wrdreg s26  }
0x1a: {  	v0 =	vlaneseq.u32;
	s10 =	simm.s32 $0x5;
	s12 =	simm.s32 $0x3;
	[dreg:$0xc] =	wrdreg s0  }
0x1b: {  	v0 =	vmul.u32 $0x10, v0;
	s18 =	sadd.s32 $0x10, s9;
	s0 =	sadd.s32 s19, s7;
	[dreg:$0xf] =	wrdreg s20  }
0x1c: {  	v1 =	vimm.f32 $0.0e+00;
	[dreg:$0x10] =	wrdreg s21;
	s5 =	sshrl.u32 s24, $0x3;
	s19 =	simm.s32 $0x7D80  }
0x1d: {  	v2 =	vor.u32 $0x1, v0;
	v3 =	vor.u32 $0x2, v0;
	v4 =	vor.u32 $0x3, v0;
	s21 =	simm.s32 $0x40;
	s20 =	simm.s32 $0x6580;
	[dreg:$0xd] =	wrdreg s18  }
0x1e: {  	v5 =	vor.u32 $0x4, v0;
	v6 =	vor.u32 $0x5, v0;
	v7 =	vor.u32 $0x6, v0;
	s7 =	simm.s32 $0x4180;
	s9 =	simm.s32 $0x2;
	[dreg:$0xe] =	wrdreg s0  }
0x1f: {  	v8 =	vor.u32 $0x7, v0;
	v9 =	vor.u32 $0x8, v0;
	v10 =	vor.u32 $0x9, v0;
	s0 =	sshrl.u32 s23, $0x3;
	s26 =	sadd.s32 s5, s1;
	s23 =	simm.s32 $0x180  }
0x20: {  	v11 =	vor.u32 $0xA, v0;
	v12 =	vor.u32 $0xB, v0;
	v13 =	vor.u32 $0xC, v0;
	s5 =	simm.s32 $0x100;
	s0 =	sadd.s32 s0, s1;
	[dreg:$0x14] =	wrdreg s26  }
0x21: {  	v14 =	vor.u32 $0xD, v0;
	v15 =	vor.u32 $0xE, v0;
	v16 =	vor.u32 $0xF, v0;
	s26 =	simm.s32 $0x8;
	[dreg:$0x13] =	wrdreg s0;
	s0 =	simm.s32 $0x9  }
.LBB2_1:
0x22: {  	s6 =	rddreg [dreg:$0x7]  }
0x23: {  	[tilespmem:s19], [sflag:$0xA] =	stream.linear.gather [hbm4b:s6+s3], $0x1000, $0x38;
	[tilespmem:$0xA9A0] =	vst v63  }
0x24: {  	s19 =	rddreg [dreg:$0x8]  }
0x25: {  	[tilespmem:s3], [sflag:$0x1] =	stream.linear.gather [hbm4b:s19+s3], $0x80, $0x38;
	[tilespmem:$0xA9A0] =	vst v63  }
0x26: {  	s24 =	rddreg [dreg:$0x9];
	s6 =	simm.s32 $0x0  }
0x27: {  	[tilespmem:s23], [sflag:$0x4] =	stream.strided.gather [hbm4b:s24+s21], $0x2000, s22, s21, $0x38;
	[tilespmem:$0xA9A0] =	vst v63  }
.LBB2_2:
0x28: {  	p1 =	sne.s32 s6, $0xFC0  }
.Ltmp0:
0x29: {  	_ = 	snop;
	(pc) =	sbr.rel @p1 .LBB2_2-.Ltmp0, $3  }
0x2a: {  	_ =	sdelay $0x1  }
0x2b: {  	s16 =	sshra.s32 s6, $0x2  }
0x2c: {  	s6 =	sadd.s32 $0x40, s6;
	[tilespmem:s16+$0x6180] =	vst v1  }
0x2d: {  	s16 =	simm.s32 $0x100;
	s6 =	simm.s32 $0x0  }
.LBB2_4:
0x2e: {  	p1 =	sne.s32 s16, $0x3F00;
	[tilespmem:s6+$0x65B0] =	vst v1;
	s17 =	smov.u32 s16;
	s16 =	sadd.s32 $0x100, s16  }
.Ltmp1:
0x2f: {  	[tilespmem:s6+$0x65A0] =	vst v1;
	(pc) =	sbr.rel @p1 .LBB2_4-.Ltmp1, $3  }
0x30: {  	[tilespmem:s6+$0x6580] =	vst v1  }
0x31: {  	[tilespmem:s6+$0x6590] =	vst v1;
	_ =	sdelay $0x1  }
0x32: {  	s6 =	sshra.s32 s17, $0x2  }
0x33: {  	[tilespmem:s6+$0x65B0] =	vst v1  }
0x34: {  	[tilespmem:s6+$0x65A0] =	vst v1  }
0x35: {  	[tilespmem:s6+$0x6580] =	vst v1  }
0x36: {  	[tilespmem:s6+$0x6590] =	vst v1  }
0x37: {  	[spmem:s8] =	stream.linear.scatter [tilespmem:s20], [sflag:$0xB], $0x1000, $0x38;
	[tilespmem:$0xA9A0] =	vst v63  }
0x38: {  	_ =	swait.ge [sflag:s25], $0x1000  }
0x39: {  	[sflag:s25] =	ssyncset.done $0x0  }
0x3a: {  	[sflag:s25] =	ssyncadd.s32 $0xFFFFF000  }
.Ltmp2:
0x3b: {  	[bflag:$0x0] =	sbarrier.arrive $0xFFFF;
	(pc) =	sbr.rel .LBB2_6-.Ltmp2, $4  }
0x3c: {  	s19 =	rddreg [dreg:$0x14]  }
0x3d: {  	s18 =	rddreg [dreg:$0x13]  }
0x3e: {  	s17 =	rddreg [dreg:$0x12]  }
0x3f: {  	s6 =	simm.s32 $0x0;
	s16 =	rddreg [dreg:$0x11]  }
.LBB2_19:
0x40: {  	_ =	swait.ge [sflag:s11], $0x2000  }
0x41: {  	[sflag:s11] =	ssyncset.done $0x0  }
0x42: {  	s20 =	sshrl.u32 s17, $0x3;
	[sflag:s11] =	ssyncadd.s32 $0xFFFFE000  }
0x43: {  	[tilespmem:s3], [sflag:$0x1] =	stream.linear.gather [hbm4b:s16+s3], $0x80, $0x38;
	[tilespmem:$0xA9A0] =	vst v63  }
0x44: {  	s20 =	sadd.s32 s1, s20  }
0x45: {  	[tilespmem:s23], [sflag:$0x4] =	stream.strided.gather [hbm4b:s20+s21], $0x2000, s22, s21, $0x38;
	[tilespmem:$0xA9A0] =	vst v63  }
.LBB2_21:
0x46: {  	_ =	swait.ge [sflag:s12], $0x80  }
0x47: {  	[sflag:s12] =	ssyncset.done $0x0  }
0x48: {  	[sflag:s12] =	ssyncadd.s32 $0xFFFFFF80  }
0x49: {  	_ =	swait.ge [sflag:s13], $0x2000  }
0x4a: {  	[sflag:s13] =	ssyncset.done $0x0  }
0x4b: {  	[sflag:s13] =	ssyncadd.s32 $0xFFFFE000  }
0x4c: {  	[spmem:s2] =	stream.indirect.scatter.add.f32 [tilespmem:s7], [sflag:$0x9], $0x40, s5, s22, $0xb8;
	[tilespmem:$0xA9A0] =	vst v63  }
0x4d: {  	v17 =	vld [tilespmem:$0x100];
	_ =	sdelay $0x4  }
0x4e: {  	(xrf1) =	vunique.msk.u32 $0xffff, v17;
	_ =	sdelay $0xd  }
0x4f: {  	_, v18, vm0 =	vpop (xrf1);
	_ =	sdelay $0x3  }
0x50: {  	v18 =	vcvt.s32.f32 v18;
	_ =	sdelay $0x1  }
0x51: {  	[tilespmem:v17+s31+$0x0] =	vst.idx.add.f32.msk vm0, v18  }
0x52: {  	v17 =	vld [tilespmem:$0x110];
	_ =	sdelay $0x4  }
0x53: {  	(xrf1) =	vunique.msk.u32 $0xffff, v17;
	_ =	sdelay $0xd  }
0x54: {  	_, v18, vm0 =	vpop (xrf1);
	_ =	sdelay $0x3  }
0x55: {  	v18 =	vcvt.s32.f32 v18;
	_ =	sdelay $0x1  }
0x56: {  	[tilespmem:v17+s31+$0x0] =	vst.idx.add.f32.msk vm0, v18  }
0x57: {  	v17 =	vld [tilespmem:$0x120];
	_ =	sdelay $0x4  }
0x58: {  	(xrf1) =	vunique.msk.u32 $0xffff, v17;
	_ =	sdelay $0xd  }
0x59: {  	_, v18, vm0 =	vpop (xrf1);
	_ =	sdelay $0x3  }
0x5a: {  	v18 =	vcvt.s32.f32 v18;
	_ =	sdelay $0x1  }
0x5b: {  	[tilespmem:v17+s31+$0x0] =	vst.idx.add.f32.msk vm0, v18  }
0x5c: {  	v17 =	vld [tilespmem:$0x130];
	_ =	sdelay $0x4  }
0x5d: {  	(xrf1) =	vunique.msk.u32 $0xffff, v17;
	_ =	sdelay $0xd  }
0x5e: {  	_, v18, vm0 =	vpop (xrf1);
	_ =	sdelay $0x3  }
0x5f: {  	v18 =	vcvt.s32.f32 v18;
	_ =	sdelay $0x1  }
0x60: {  	[tilespmem:v17+s31+$0x0] =	vst.idx.add.f32.msk vm0, v18  }
0x61: {  	v17 =	vld [tilespmem:$0x140];
	_ =	sdelay $0x4  }
0x62: {  	(xrf1) =	vunique.msk.u32 $0xffff, v17;
	_ =	sdelay $0xd  }
0x63: {  	_, v18, vm0 =	vpop (xrf1);
	_ =	sdelay $0x3  }
0x64: {  	v18 =	vcvt.s32.f32 v18;
	_ =	sdelay $0x1  }
0x65: {  	[tilespmem:v17+s31+$0x0] =	vst.idx.add.f32.msk vm0, v18  }
0x66: {  	v17 =	vld [tilespmem:$0x150];
	_ =	sdelay $0x4  }
0x67: {  	(xrf1) =	vunique.msk.u32 $0xffff, v17;
	_ =	sdelay $0xd  }
0x68: {  	_, v18, vm0 =	vpop (xrf1);
	_ =	sdelay $0x3  }
0x69: {  	v18 =	vcvt.s32.f32 v18;
	_ =	sdelay $0x1  }
0x6a: {  	[tilespmem:v17+s31+$0x0] =	vst.idx.add.f32.msk vm0, v18  }
0x6b: {  	v17 =	vld [tilespmem:$0x160];
	_ =	sdelay $0x4  }
0x6c: {  	(xrf1) =	vunique.msk.u32 $0xffff, v17;
	_ =	sdelay $0xd  }
0x6d: {  	_, v18, vm0 =	vpop (xrf1);
	_ =	sdelay $0x3  }
0x6e: {  	v18 =	vcvt.s32.f32 v18;
	_ =	sdelay $0x1  }
0x6f: {  	[tilespmem:v17+s31+$0x0] =	vst.idx.add.f32.msk vm0, v18  }
0x70: {  	v17 =	vld [tilespmem:$0x170];
	_ =	sdelay $0x4  }
0x71: {  	(xrf1) =	vunique.msk.u32 $0xffff, v17;
	_ =	sdelay $0xd  }
0x72: {  	_, v18, vm0 =	vpop (xrf1);
	_ =	sdelay $0x3  }
0x73: {  	v18 =	vcvt.s32.f32 v18;
	_ =	sdelay $0x1  }
0x74: {  	[tilespmem:v17+s31+$0x0] =	vst.idx.add.f32.msk vm0, v18  }
.LBB2_22:
0x75: {  	s6 =	sadd.s32 $0x30, s6  }
0x76: {  	p1 =	sne.s32 s6, $0x330  }
.Ltmp3:
0x77: {  	_ = 	snop;
	(pc) =	sbr.rel @!p1 .LBB2_23-.Ltmp3, $3  }
0x78: {  	_ =	sdelay $0x1  }
0x79: {  	s16 =	sadd.s32 $0x300, s16  }
0x7a: {  	s17 =	sadd.s32 $0xC0000, s17;
	s18 =	sadd.s32 $0x18000, s18;
	s19 =	sadd.s32 $0x18000, s19  }
.LBB2_6:
0x7b: {  	s24 =	sadd.s32 s6, s4;
	p1 =	seq.s32 s6, $0x0  }
0x7c: {  	p2 =	sgt.u32 @!p1 s24, $0x2FC  }
0x7d: {  	p2 =	por p1, p2  }
.Ltmp4:
0x7e: {  	_ = 	snop;
	(pc) =	sbr.rel @p2 .LBB2_8-.Ltmp4, $1  }
0x7f: {  	_ =	sdelay $0x3  }
0x80: {  	_ =	swait.ge [sflag:s26], $0x2000  }
0x81: {  	[sflag:s26] =	ssyncset.done $0x0  }
0x82: {  	[sflag:s26] =	ssyncadd.s32 $0xFFFFE000  }
.LBB2_9:
0x83: {  	s20 =	sadd.s32 $0xFFFFFE00, s16  }
0x84: {  	[tilespmem:s22], [sflag:$0x2] =	stream.linear.gather [hbm4b:s20+s3], $0x80, $0x38;
	[tilespmem:$0xA9A0] =	vst v63  }
0x85: {  	_ = 	snop  }
0x86: {  	[tilespmem:s28], [sflag:$0x5] =	stream.strided.gather [hbm4b:s19+s21], $0x2000, s22, s21, $0x38;
	[tilespmem:$0xA9A0] =	vst v63  }
.LBB2_11:
0x87: {  	_ =	swait.ge [sflag:s29], $0x80  }
0x88: {  	[sflag:s29] =	ssyncset.done $0x0  }
0x89: {  	[sflag:s29] =	ssyncadd.s32 $0xFFFFFF80  }
0x8a: {  	_ =	swait.ge [sflag:s30], $0x2000  }
0x8b: {  	[sflag:s30] =	ssyncset.done $0x0  }
0x8c: {  	[sflag:s30] =	ssyncadd.s32 $0xFFFFE000  }
0x8d: {  	[spmem:s2] =	stream.indirect.scatter.add.f32 [tilespmem:s23], [sflag:$0x7], $0x40, s3, s22, $0xb8;
	[tilespmem:$0xA9A0] =	vst v63  }
0x8e: {  	v17 =	vld [tilespmem:$0x0];
	_ =	sdelay $0x4  }
0x8f: {  	(xrf1) =	vunique.msk.u32 $0xffff, v17;
	_ =	sdelay $0xd  }
0x90: {  	_, v18, vm0 =	vpop (xrf1);
	_ =	sdelay $0x3  }
0x91: {  	v18 =	vcvt.s32.f32 v18;
	_ =	sdelay $0x1  }
0x92: {  	[tilespmem:v17+s31+$0x0] =	vst.idx.add.f32.msk vm0, v18  }
0x93: {  	v17 =	vld [tilespmem:$0x10];
	_ =	sdelay $0x4  }
0x94: {  	(xrf1) =	vunique.msk.u32 $0xffff, v17;
	_ =	sdelay $0xd  }
0x95: {  	_, v18, vm0 =	vpop (xrf1);
	_ =	sdelay $0x3  }
0x96: {  	v18 =	vcvt.s32.f32 v18;
	_ =	sdelay $0x1  }
0x97: {  	[tilespmem:v17+s31+$0x0] =	vst.idx.add.f32.msk vm0, v18  }
0x98: {  	v17 =	vld [tilespmem:$0x20];
	_ =	sdelay $0x4  }
0x99: {  	(xrf1) =	vunique.msk.u32 $0xffff, v17;
	_ =	sdelay $0xd  }
0x9a: {  	_, v18, vm0 =	vpop (xrf1);
	_ =	sdelay $0x3  }
0x9b: {  	v18 =	vcvt.s32.f32 v18;
	_ =	sdelay $0x1  }
0x9c: {  	[tilespmem:v17+s31+$0x0] =	vst.idx.add.f32.msk vm0, v18  }
0x9d: {  	v17 =	vld [tilespmem:$0x30];
	_ =	sdelay $0x4  }
0x9e: {  	(xrf1) =	vunique.msk.u32 $0xffff, v17;
	_ =	sdelay $0xd  }
0x9f: {  	_, v18, vm0 =	vpop (xrf1);
	_ =	sdelay $0x3  }
0xa0: {  	v18 =	vcvt.s32.f32 v18;
	_ =	sdelay $0x1  }
0xa1: {  	[tilespmem:v17+s31+$0x0] =	vst.idx.add.f32.msk vm0, v18  }
0xa2: {  	v17 =	vld [tilespmem:$0x40];
	_ =	sdelay $0x4  }
0xa3: {  	(xrf1) =	vunique.msk.u32 $0xffff, v17;
	_ =	sdelay $0xd  }
0xa4: {  	_, v18, vm0 =	vpop (xrf1);
	_ =	sdelay $0x3  }
0xa5: {  	v18 =	vcvt.s32.f32 v18;
	_ =	sdelay $0x1  }
0xa6: {  	[tilespmem:v17+s31+$0x0] =	vst.idx.add.f32.msk vm0, v18  }
0xa7: {  	v17 =	vld [tilespmem:$0x50];
	_ =	sdelay $0x4  }
0xa8: {  	(xrf1) =	vunique.msk.u32 $0xffff, v17;
	_ =	sdelay $0xd  }
0xa9: {  	_, v18, vm0 =	vpop (xrf1);
	_ =	sdelay $0x3  }
0xaa: {  	v18 =	vcvt.s32.f32 v18;
	_ =	sdelay $0x1  }
0xab: {  	[tilespmem:v17+s31+$0x0] =	vst.idx.add.f32.msk vm0, v18  }
0xac: {  	v17 =	vld [tilespmem:$0x60];
	_ =	sdelay $0x4  }
0xad: {  	(xrf1) =	vunique.msk.u32 $0xffff, v17;
	_ =	sdelay $0xd  }
0xae: {  	_, v18, vm0 =	vpop (xrf1);
	_ =	sdelay $0x3  }
0xaf: {  	v18 =	vcvt.s32.f32 v18;
	_ =	sdelay $0x1  }
0xb0: {  	[tilespmem:v17+s31+$0x0] =	vst.idx.add.f32.msk vm0, v18  }
0xb1: {  	v17 =	vld [tilespmem:$0x70];
	_ =	sdelay $0x4  }
0xb2: {  	(xrf1) =	vunique.msk.u32 $0xffff, v17;
	_ =	sdelay $0xd  }
0xb3: {  	_, v18, vm0 =	vpop (xrf1);
	_ =	sdelay $0x3  }
0xb4: {  	v18 =	vcvt.s32.f32 v18;
	_ =	sdelay $0x1  }
0xb5: {  	[tilespmem:v17+s31+$0x0] =	vst.idx.add.f32.msk vm0, v18  }
.LBB2_12:
0xb6: {  	s20 =	sadd.s32 $0x10, s24  }
0xb7: {  	p2 =	sgt.u32 @!p1 s20, $0x2FC  }
0xb8: {  	p1 =	por p1, p2  }
.Ltmp5:
0xb9: {  	_ = 	snop;
	(pc) =	sbr.rel @p1 .LBB2_14-.Ltmp5, $1  }
0xba: {  	_ =	sdelay $0x3  }
0xbb: {  	_ =	swait.ge [sflag:s0], $0x2000  }
0xbc: {  	[sflag:s0] =	ssyncset.done $0x0  }
0xbd: {  	[sflag:s0] =	ssyncadd.s32 $0xFFFFE000  }
.LBB2_15:
0xbe: {  	s20 =	sadd.s32 $0xFFFFFF00, s16  }
0xbf: {  	[tilespmem:s5], [sflag:$0x3] =	stream.linear.gather [hbm4b:s20+s3], $0x80, $0x38;
	[tilespmem:$0xA9A0] =	vst v63  }
0xc0: {  	_ = 	snop  }
0xc1: {  	[tilespmem:s7], [sflag:$0x6] =	stream.strided.gather [hbm4b:s18+s21], $0x2000, s22, s21, $0x38;
	[tilespmem:$0xA9A0] =	vst v63  }
.LBB2_17:
0xc2: {  	_ =	swait.ge [sflag:s9], $0x80  }
0xc3: {  	[sflag:s9] =	ssyncset.done $0x0  }
0xc4: {  	[sflag:s9] =	ssyncadd.s32 $0xFFFFFF80  }
0xc5: {  	_ =	swait.ge [sflag:s10], $0x2000  }
0xc6: {  	[sflag:s10] =	ssyncset.done $0x0  }
0xc7: {  	[sflag:s10] =	ssyncadd.s32 $0xFFFFE000  }
0xc8: {  	[spmem:s2] =	stream.indirect.scatter.add.f32 [tilespmem:s28], [sflag:$0x8], $0x40, s22, s22, $0xb8;
	[tilespmem:$0xA9A0] =	vst v63  }
0xc9: {  	v17 =	vld [tilespmem:$0x80];
	_ =	sdelay $0x4  }
0xca: {  	(xrf1) =	vunique.msk.u32 $0xffff, v17;
	_ =	sdelay $0xd  }
0xcb: {  	_, v18, vm0 =	vpop (xrf1);
	_ =	sdelay $0x3  }
0xcc: {  	v18 =	vcvt.s32.f32 v18;
	_ =	sdelay $0x1  }
0xcd: {  	[tilespmem:v17+s31+$0x0] =	vst.idx.add.f32.msk vm0, v18  }
0xce: {  	v17 =	vld [tilespmem:$0x90];
	_ =	sdelay $0x4  }
0xcf: {  	(xrf1) =	vunique.msk.u32 $0xffff, v17;
	_ =	sdelay $0xd  }
0xd0: {  	_, v18, vm0 =	vpop (xrf1);
	_ =	sdelay $0x3  }
0xd1: {  	v18 =	vcvt.s32.f32 v18;
	_ =	sdelay $0x1  }
0xd2: {  	[tilespmem:v17+s31+$0x0] =	vst.idx.add.f32.msk vm0, v18  }
0xd3: {  	v17 =	vld [tilespmem:$0xA0];
	_ =	sdelay $0x4  }
0xd4: {  	(xrf1) =	vunique.msk.u32 $0xffff, v17;
	_ =	sdelay $0xd  }
0xd5: {  	_, v18, vm0 =	vpop (xrf1);
	_ =	sdelay $0x3  }
0xd6: {  	v18 =	vcvt.s32.f32 v18;
	_ =	sdelay $0x1  }
0xd7: {  	[tilespmem:v17+s31+$0x0] =	vst.idx.add.f32.msk vm0, v18  }
0xd8: {  	v17 =	vld [tilespmem:$0xB0];
	_ =	sdelay $0x4  }
0xd9: {  	(xrf1) =	vunique.msk.u32 $0xffff, v17;
	_ =	sdelay $0xd  }
0xda: {  	_, v18, vm0 =	vpop (xrf1);
	_ =	sdelay $0x3  }
0xdb: {  	v18 =	vcvt.s32.f32 v18;
	_ =	sdelay $0x1  }
0xdc: {  	[tilespmem:v17+s31+$0x0] =	vst.idx.add.f32.msk vm0, v18  }
0xdd: {  	v17 =	vld [tilespmem:$0xC0];
	_ =	sdelay $0x4  }
0xde: {  	(xrf1) =	vunique.msk.u32 $0xffff, v17;
	_ =	sdelay $0xd  }
0xdf: {  	_, v18, vm0 =	vpop (xrf1);
	_ =	sdelay $0x3  }
0xe0: {  	v18 =	vcvt.s32.f32 v18;
	_ =	sdelay $0x1  }
0xe1: {  	[tilespmem:v17+s31+$0x0] =	vst.idx.add.f32.msk vm0, v18  }
0xe2: {  	v17 =	vld [tilespmem:$0xD0];
	_ =	sdelay $0x4  }
0xe3: {  	(xrf1) =	vunique.msk.u32 $0xffff, v17;
	_ =	sdelay $0xd  }
0xe4: {  	_, v18, vm0 =	vpop (xrf1);
	_ =	sdelay $0x3  }
0xe5: {  	v18 =	vcvt.s32.f32 v18;
	_ =	sdelay $0x1  }
0xe6: {  	[tilespmem:v17+s31+$0x0] =	vst.idx.add.f32.msk vm0, v18  }
0xe7: {  	v17 =	vld [tilespmem:$0xE0];
	_ =	sdelay $0x4  }
0xe8: {  	(xrf1) =	vunique.msk.u32 $0xffff, v17;
	_ =	sdelay $0xd  }
0xe9: {  	_, v18, vm0 =	vpop (xrf1);
	_ =	sdelay $0x3  }
0xea: {  	v18 =	vcvt.s32.f32 v18;
	_ =	sdelay $0x1  }
0xeb: {  	[tilespmem:v17+s31+$0x0] =	vst.idx.add.f32.msk vm0, v18  }
0xec: {  	v17 =	vld [tilespmem:$0xF0];
	_ =	sdelay $0x4  }
0xed: {  	(xrf1) =	vunique.msk.u32 $0xffff, v17;
	_ =	sdelay $0xd  }
0xee: {  	_, v18, vm0 =	vpop (xrf1);
	_ =	sdelay $0x3  }
0xef: {  	v18 =	vcvt.s32.f32 v18;
	_ =	sdelay $0x1  }
0xf0: {  	[tilespmem:v17+s31+$0x0] =	vst.idx.add.f32.msk vm0, v18  }
.LBB2_18:
0xf1: {  	s20 =	sadd.s32 $0x20, s24  }
0xf2: {  	p1 =	sgt.u32 s20, $0x2FC  }
.Ltmp6:
0xf3: {  	_ = 	snop;
	(pc) =	sbr.rel @!p1 .LBB2_19-.Ltmp6, $1  }
0xf4: {  	_ =	sdelay $0x3  }
0xf5: {  	p1 =	sgt.u32 s20, $0x30C  }
.Ltmp7:
0xf6: {  	_ = 	snop;
	(pc) =	sbr.rel @p1 .LBB2_22-.Ltmp7, $4  }
.Ltmp8:
0xf7: {  	_ = 	snop;
	(pc) =	sbr.rel @!p1 .LBB2_21-.Ltmp8, $4  }
0xf8: {  	_ = 	snop  }
0xf9: {  	_ = 	snop  }
0xfa: {  	_ = 	snop  }
0xfb: {  	_ = 	snop  }
.LBB2_8:
0xfc: {  	p2 =	sgt.u32 s24, $0x2FC  }
.Ltmp9:
0xfd: {  	_ = 	snop;
	(pc) =	sbr.rel @!p2 .LBB2_9-.Ltmp9, $1  }
0xfe: {  	_ =	sdelay $0x3  }
0xff: {  	p2 =	sgt.u32 s24, $0x30C  }
.Ltmp10:
0x100: {  	_ = 	snop;
	(pc) =	sbr.rel @p2 .LBB2_12-.Ltmp10, $4  }
.Ltmp11:
0x101: {  	_ = 	snop;
	(pc) =	sbr.rel @!p2 .LBB2_11-.Ltmp11, $4  }
0x102: {  	_ = 	snop  }
0x103: {  	_ = 	snop  }
0x104: {  	_ = 	snop  }
0x105: {  	_ = 	snop  }
.LBB2_14:
0x106: {  	p1 =	sgt.u32 s20, $0x2FC  }
.Ltmp12:
0x107: {  	_ = 	snop;
	(pc) =	sbr.rel @!p1 .LBB2_15-.Ltmp12, $1  }
0x108: {  	_ =	sdelay $0x3  }
0x109: {  	p1 =	sgt.u32 s20, $0x30C  }
.Ltmp13:
0x10a: {  	_ = 	snop;
	(pc) =	sbr.rel @p1 .LBB2_18-.Ltmp13, $4  }
.Ltmp14:
0x10b: {  	_ = 	snop;
	(pc) =	sbr.rel @!p1 .LBB2_17-.Ltmp14, $4  }
0x10c: {  	_ = 	snop  }
0x10d: {  	_ = 	snop  }
0x10e: {  	_ = 	snop  }
0x10f: {  	_ = 	snop  }
.LBB2_23:
0x110: {  	_ =	swait.ge [sflag:s11], $0x2000  }
0x111: {  	[sflag:s11] =	ssyncset.done $0x0  }
0x112: {  	[sflag:s11] =	ssyncadd.s32 $0xFFFFE000  }
0x113: {  	_ =	swait.ge [sflag:s26], $0x2000  }
0x114: {  	[sflag:s26] =	ssyncset.done $0x0  }
0x115: {  	[sflag:s26] =	ssyncadd.s32 $0xFFFFE000  }
0x116: {  	_ =	swait.ge [sflag:s0], $0x2000  }
0x117: {  	s6 =	simm.s32 @!p0 $0x0;
	[sflag:s0] =	ssyncset.done $0x0  }
0x118: {  	s16 =	simm.s32 @!p0 $0x8D80;
	s17 =	rddreg [dreg:$0xa];
	[sflag:s0] =	ssyncadd.s32 $0xFFFFE000  }
0x119: {  	[tilespmem:s16], [sflag:$0xB] =	stream.linear.gather @!p0 [hbm4b:s17+s6], $0x20, $0x38;
	[tilespmem:$0xA9A0] =	vst v63  }
0x11a: {  	s6 =	simm.s32 @!p0 $0xB  }
0x11b: {  	_ =	swait.ge @!p0 [sflag:s6], $0x20  }
0x11c: {  	s18 =	simm.s32 @!p0 $0x80;
	s19 =	simm.s32 @!p0 $0x8DA0;
	[sflag:s6] =	ssyncset.done @!p0 $0x0  }
0x11d: {  	s17 =	simm.s32 @!p0 $0x40;
	s20 =	rddreg [dreg:$0xb];
	[sflag:s6] =	ssyncadd.s32 @!p0 $0xFFFFFFE0  }
0x11e: {  	[tilespmem:s19], [sflag:$0xB] =	stream.strided.gather @!p0 [hbm4b:s20+s17], $0x800, s18, s17, $0x38;
	[tilespmem:$0xA9A0] =	vst v63  }
0x11f: {  	_ =	swait.ge @!p0 [sflag:s6], $0x800  }
0x120: {  	[sflag:s6] =	ssyncset.done @!p0 $0x0  }
0x121: {  	s17 =	simm.s32 @!p0 $0x20;
	[sflag:s6] =	ssyncadd.s32 @!p0 $0xFFFFF800  }
0x122: {  	[spmem:s2] =	stream.indirect.scatter.add.f32 @!p0 [tilespmem:s19], [sflag:$0xB], $0x40, s16, s17, $0xb8;
	[tilespmem:$0xA9A0] =	vst v63  }
0x123: {  	_ =	swait.ge @!p0 [sflag:s6], $0x800  }
0x124: {  	[sflag:s6] =	ssyncset.done @!p0 $0x0  }
0x125: {  	[sflag:s6] =	ssyncadd.s32 @!p0 $0xFFFFF800  }
0x126: {  	v17 =	vld @!p0 [tilespmem:$0x8D80];
	_ =	sdelay $0x4  }
0x127: {  	(xrf1) =	vunique.msk.u32 @!p0 $0xffff, v17;
	_ =	sdelay $0xd  }
0x128: {  	_, v18, vm0 =	vpop @!p0 (xrf1);
	_ =	sdelay $0x3  }
0x129: {  	v18 =	vcvt.s32.f32 @!p0 v18  }
0x12a: {  	s6 =	simm.s32 @!p0 $0x6180  }
0x12b: {  	[tilespmem:v17+s6+$0x0] =	vst.idx.add.f32.msk @!p0 vm0, v18  }
0x12c: {  	v17 =	vld @!p0 [tilespmem:$0x8D90];
	_ =	sdelay $0x4  }
0x12d: {  	(xrf1) =	vunique.msk.u32 @!p0 $0xffff, v17;
	_ =	sdelay $0xd  }
0x12e: {  	_, v18, vm0 =	vpop @!p0 (xrf1);
	_ =	sdelay $0x3  }
0x12f: {  	v18 =	vcvt.s32.f32 @!p0 v18;
	_ =	sdelay $0x1  }
0x130: {  	s19 =	rddreg [dreg:$0xc];
	[tilespmem:v17+s6+$0x0] =	vst.idx.add.f32.msk @!p0 vm0, v18  }
0x131: {  	[spmem:s19] =	stream.linear.scatter [tilespmem:s31], [sflag:$0xB], $0x400, $0x38;
	[tilespmem:$0xA9A0] =	vst v63  }
0x132: {  	_ =	swait.ge [sflag:s25], $0x400  }
0x133: {  	[sflag:s25] =	ssyncset.done $0x0  }
0x134: {  	s20 =	simm.s32 $0xA;
	[sflag:s25] =	ssyncadd.s32 $0xFFFFFC00  }
0x135: {  	_ =	swait.ge [sflag:s20], $0x1000  }
0x136: {  	[sflag:s20] =	ssyncset.done $0x0  }
0x137: {  	s19 =	simm.s32 $0x7D80;
	s24 =	rddreg [dreg:$0xd];
	[sflag:s20] =	ssyncadd.s32 $0xFFFFF000  }
0x138: {  	[hbm4b:s24+s22] =	stream.strided.scatter [tilespmem:s19], [sflag:$0xB], $0x1000, s5, s22, $0x38;
	[tilespmem:$0xA9A0] =	vst v63  }
0x139: {  	_ =	swait.ge [sflag:s25], $0x1000  }
0x13a: {  	[sflag:s25] =	ssyncset.done $0x0  }
0x13b: {  	[sflag:s25] =	ssyncadd.s32 $0xFFFFF000  }
0x13c: {  	s20 =	simm.s32 $0x6580;
	[bflag:$0x0] =	sbarrier.arrive $0xFFFF  }
0x13d: {  	[tilespmem:s20], [sflag:$0xB] =	stream.linear.gather [spmem:s8], $0x1000, $0x38;
	[tilespmem:$0xA9A0] =	vst v63  }
0x13e: {  	_ =	swait.ge [sflag:s25], $0x1000  }
0x13f: {  	s18 =	simm.s32 $0x7980;
	[sflag:s25] =	ssyncset.done $0x0  }
0x140: {  	s17 =	simm.s32 $0x400;
	s16 =	rddreg [dreg:$0xe];
	[sflag:s25] =	ssyncadd.s32 $0xFFFFF000  }
0x141: {  	[tilespmem:s18], [sflag:$0xB] =	stream.strided.gather [spmem:s16], $0x400, s17, s21, $0x38;
	[tilespmem:$0xA9A0] =	vst v63  }
0x142: {  	_ =	swait.ge [sflag:s25], $0x400  }
0x143: {  	[sflag:s25] =	ssyncset.done $0x0  }
0x144: {  	[sflag:s25] =	ssyncadd.s32 $0xFFFFFC00  }
0x145: {  	v17 =	vld [tilespmem:$0x7980]  }
0x146: {  	v18 =	vld [tilespmem:$0x79C0];
	_ =	sdelay $0x1  }
0x147: {  	v19 =	vld [tilespmem:$0x7A00];
	_ =	sdelay $0x1  }
0x148: {  	v20 =	vld [tilespmem:$0x7A40]  }
0x149: {  	v17 =	vadd.f32 v18, v17  }
0x14a: {  	v18 =	vld [tilespmem:$0x7A80]  }
0x14b: {  	v17 =	vadd.f32 v19, v17  }
0x14c: {  	v19 =	vld [tilespmem:$0x7AC0]  }
0x14d: {  	v17 =	vadd.f32 v20, v17  }
0x14e: {  	v20 =	vld [tilespmem:$0x7B00]  }
0x14f: {  	v17 =	vadd.f32 v18, v17  }
0x150: {  	v18 =	vld [tilespmem:$0x7B40]  }
0x151: {  	v17 =	vadd.f32 v19, v17  }
0x152: {  	v19 =	vld [tilespmem:$0x7B80]  }
0x153: {  	v17 =	vadd.f32 v20, v17  }
0x154: {  	v20 =	vld [tilespmem:$0x7BC0]  }
0x155: {  	v17 =	vadd.f32 v18, v17  }
0x156: {  	v18 =	vld [tilespmem:$0x7C00]  }
0x157: {  	v17 =	vadd.f32 v19, v17  }
0x158: {  	v19 =	vld [tilespmem:$0x7C40]  }
0x159: {  	v17 =	vadd.f32 v20, v17  }
0x15a: {  	v20 =	vld [tilespmem:$0x7C80]  }
0x15b: {  	v17 =	vadd.f32 v18, v17  }
0x15c: {  	v18 =	vld [tilespmem:$0x7CC0]  }
0x15d: {  	v17 =	vadd.f32 v19, v17  }
0x15e: {  	v19 =	vld [tilespmem:$0x7D00]  }
0x15f: {  	v17 =	vadd.f32 v20, v17  }
0x160: {  	v20 =	vld [tilespmem:$0x7D40]  }
0x161: {  	v17 =	vadd.f32 v18, v17;
	_ =	sdelay $0x1  }
0x162: {  	v17 =	vadd.f32 v19, v17;
	_ =	sdelay $0x1  }
0x163: {  	v17 =	vadd.f32 v20, v17;
	_ =	sdelay $0x1  }
0x164: {  	v17 =	vmax.f32 v17, $1.000000000e+00  }
0x165: {  	(erf) = vrcp.f32 v17;
	_ =	sdelay $0x8  }
0x166: {  	v17 =	vpop (erf)  }
0x167: {  	[tilespmem:v0+s14+$0x0] =	vst.idx.msk $0xffff, v17  }
0x168: {  	[tilespmem:v2+s14+$0x0] =	vst.idx.msk $0xffff, v17  }
0x169: {  	[tilespmem:v3+s14+$0x0] =	vst.idx.msk $0xffff, v17  }
0x16a: {  	[tilespmem:v4+s14+$0x0] =	vst.idx.msk $0xffff, v17  }
0x16b: {  	[tilespmem:v5+s14+$0x0] =	vst.idx.msk $0xffff, v17  }
0x16c: {  	[tilespmem:v6+s14+$0x0] =	vst.idx.msk $0xffff, v17  }
0x16d: {  	[tilespmem:v7+s14+$0x0] =	vst.idx.msk $0xffff, v17  }
0x16e: {  	[tilespmem:v8+s14+$0x0] =	vst.idx.msk $0xffff, v17  }
0x16f: {  	[tilespmem:v9+s14+$0x0] =	vst.idx.msk $0xffff, v17  }
0x170: {  	[tilespmem:v10+s14+$0x0] =	vst.idx.msk $0xffff, v17  }
0x171: {  	[tilespmem:v11+s14+$0x0] =	vst.idx.msk $0xffff, v17  }
0x172: {  	[tilespmem:v12+s14+$0x0] =	vst.idx.msk $0xffff, v17  }
0x173: {  	[tilespmem:v13+s14+$0x0] =	vst.idx.msk $0xffff, v17  }
0x174: {  	[tilespmem:v14+s14+$0x0] =	vst.idx.msk $0xffff, v17  }
0x175: {  	[tilespmem:v15+s14+$0x0] =	vst.idx.msk $0xffff, v17  }
0x176: {  	[tilespmem:v16+s14+$0x0] =	vst.idx.msk $0xffff, v17  }
0x177: {  	v17 =	vld [tilespmem:$0x7990]  }
0x178: {  	v18 =	vld [tilespmem:$0x79D0];
	_ =	sdelay $0x1  }
0x179: {  	v19 =	vld [tilespmem:$0x7A10];
	_ =	sdelay $0x1  }
0x17a: {  	v20 =	vld [tilespmem:$0x7A50]  }
0x17b: {  	v17 =	vadd.f32 v18, v17  }
0x17c: {  	v18 =	vld [tilespmem:$0x7A90]  }
0x17d: {  	v17 =	vadd.f32 v19, v17  }
0x17e: {  	v19 =	vld [tilespmem:$0x7AD0]  }
0x17f: {  	v17 =	vadd.f32 v20, v17  }
0x180: {  	v20 =	vld [tilespmem:$0x7B10]  }
0x181: {  	v17 =	vadd.f32 v18, v17  }
0x182: {  	v18 =	vld [tilespmem:$0x7B50]  }
0x183: {  	v17 =	vadd.f32 v19, v17  }
0x184: {  	v19 =	vld [tilespmem:$0x7B90]  }
0x185: {  	v17 =	vadd.f32 v20, v17  }
0x186: {  	v20 =	vld [tilespmem:$0x7BD0]  }
0x187: {  	v17 =	vadd.f32 v18, v17  }
0x188: {  	v18 =	vld [tilespmem:$0x7C10]  }
0x189: {  	v17 =	vadd.f32 v19, v17  }
0x18a: {  	v19 =	vld [tilespmem:$0x7C50]  }
0x18b: {  	v17 =	vadd.f32 v20, v17  }
0x18c: {  	v20 =	vld [tilespmem:$0x7C90]  }
0x18d: {  	v17 =	vadd.f32 v18, v17  }
0x18e: {  	v18 =	vld [tilespmem:$0x7CD0]  }
0x18f: {  	v17 =	vadd.f32 v19, v17  }
0x190: {  	v19 =	vld [tilespmem:$0x7D10]  }
0x191: {  	v17 =	vadd.f32 v20, v17  }
0x192: {  	v20 =	vld [tilespmem:$0x7D50]  }
0x193: {  	v17 =	vadd.f32 v18, v17;
	_ =	sdelay $0x1  }
0x194: {  	v17 =	vadd.f32 v19, v17;
	_ =	sdelay $0x1  }
0x195: {  	v17 =	vadd.f32 v20, v17;
	_ =	sdelay $0x1  }
0x196: {  	v17 =	vmax.f32 v17, $1.000000000e+00  }
0x197: {  	(erf) = vrcp.f32 v17;
	_ =	sdelay $0x4  }
0x198: {  	v17 =	vor.u32 $0x100, v0  }
0x199: {  	v18 =	vor.u32 $0x101, v0  }
0x19a: {  	v19 =	vor.u32 $0x102, v0  }
0x19b: {  	v20 =	vor.u32 $0x103, v0  }
0x19c: {  	v22 =	vor.u32 $0x104, v0;
	v21 =	vpop (erf)  }
0x19d: {  	[tilespmem:v17+s14+$0x0] =	vst.idx.msk $0xffff, v21;
	v17 =	vor.u32 $0x105, v0  }
0x19e: {  	[tilespmem:v18+s14+$0x0] =	vst.idx.msk $0xffff, v21;
	v18 =	vor.u32 $0x106, v0  }
0x19f: {  	[tilespmem:v19+s14+$0x0] =	vst.idx.msk $0xffff, v21;
	v19 =	vor.u32 $0x107, v0  }
0x1a0: {  	[tilespmem:v20+s14+$0x0] =	vst.idx.msk $0xffff, v21;
	v20 =	vor.u32 $0x108, v0  }
0x1a1: {  	[tilespmem:v22+s14+$0x0] =	vst.idx.msk $0xffff, v21;
	v22 =	vor.u32 $0x109, v0  }
0x1a2: {  	[tilespmem:v17+s14+$0x0] =	vst.idx.msk $0xffff, v21;
	v17 =	vor.u32 $0x10A, v0  }
0x1a3: {  	[tilespmem:v18+s14+$0x0] =	vst.idx.msk $0xffff, v21;
	v18 =	vor.u32 $0x10B, v0  }
0x1a4: {  	[tilespmem:v19+s14+$0x0] =	vst.idx.msk $0xffff, v21;
	v19 =	vor.u32 $0x10C, v0  }
0x1a5: {  	[tilespmem:v20+s14+$0x0] =	vst.idx.msk $0xffff, v21;
	v20 =	vor.u32 $0x10D, v0  }
0x1a6: {  	[tilespmem:v22+s14+$0x0] =	vst.idx.msk $0xffff, v21;
	v22 =	vor.u32 $0x10E, v0  }
0x1a7: {  	[tilespmem:v17+s14+$0x0] =	vst.idx.msk $0xffff, v21;
	v17 =	vor.u32 $0x10F, v0  }
0x1a8: {  	[tilespmem:v18+s14+$0x0] =	vst.idx.msk $0xffff, v21  }
0x1a9: {  	[tilespmem:v19+s14+$0x0] =	vst.idx.msk $0xffff, v21  }
0x1aa: {  	[tilespmem:v20+s14+$0x0] =	vst.idx.msk $0xffff, v21  }
0x1ab: {  	[tilespmem:v22+s14+$0x0] =	vst.idx.msk $0xffff, v21  }
0x1ac: {  	[tilespmem:v17+s14+$0x0] =	vst.idx.msk $0xffff, v21  }
0x1ad: {  	v17 =	vld [tilespmem:$0x79A0]  }
0x1ae: {  	v18 =	vld [tilespmem:$0x79E0];
	_ =	sdelay $0x1  }
0x1af: {  	v19 =	vld [tilespmem:$0x7A20];
	_ =	sdelay $0x1  }
0x1b0: {  	v20 =	vld [tilespmem:$0x7A60]  }
0x1b1: {  	v17 =	vadd.f32 v18, v17  }
0x1b2: {  	v18 =	vld [tilespmem:$0x7AA0]  }
0x1b3: {  	v17 =	vadd.f32 v19, v17  }
0x1b4: {  	v19 =	vld [tilespmem:$0x7AE0]  }
0x1b5: {  	v17 =	vadd.f32 v20, v17  }
0x1b6: {  	v20 =	vld [tilespmem:$0x7B20]  }
0x1b7: {  	v17 =	vadd.f32 v18, v17  }
0x1b8: {  	v18 =	vld [tilespmem:$0x7B60]  }
0x1b9: {  	v17 =	vadd.f32 v19, v17  }
0x1ba: {  	v19 =	vld [tilespmem:$0x7BA0]  }
0x1bb: {  	v17 =	vadd.f32 v20, v17  }
0x1bc: {  	v20 =	vld [tilespmem:$0x7BE0]  }
0x1bd: {  	v17 =	vadd.f32 v18, v17  }
0x1be: {  	v18 =	vld [tilespmem:$0x7C20]  }
0x1bf: {  	v17 =	vadd.f32 v19, v17  }
0x1c0: {  	v19 =	vld [tilespmem:$0x7C60]  }
0x1c1: {  	v17 =	vadd.f32 v20, v17  }
0x1c2: {  	v20 =	vld [tilespmem:$0x7CA0]  }
0x1c3: {  	v17 =	vadd.f32 v18, v17  }
0x1c4: {  	v18 =	vld [tilespmem:$0x7CE0]  }
0x1c5: {  	v17 =	vadd.f32 v19, v17  }
0x1c6: {  	v19 =	vld [tilespmem:$0x7D20]  }
0x1c7: {  	v17 =	vadd.f32 v20, v17  }
0x1c8: {  	v20 =	vld [tilespmem:$0x7D60]  }
0x1c9: {  	v17 =	vadd.f32 v18, v17;
	_ =	sdelay $0x1  }
0x1ca: {  	v17 =	vadd.f32 v19, v17;
	_ =	sdelay $0x1  }
0x1cb: {  	v17 =	vadd.f32 v20, v17;
	_ =	sdelay $0x1  }
0x1cc: {  	v17 =	vmax.f32 v17, $1.000000000e+00  }
0x1cd: {  	(erf) = vrcp.f32 v17;
	_ =	sdelay $0x4  }
0x1ce: {  	v17 =	vor.u32 $0x200, v0  }
0x1cf: {  	v18 =	vor.u32 $0x201, v0  }
0x1d0: {  	v19 =	vor.u32 $0x202, v0  }
0x1d1: {  	v20 =	vor.u32 $0x203, v0  }
0x1d2: {  	v22 =	vor.u32 $0x204, v0;
	v21 =	vpop (erf)  }
0x1d3: {  	[tilespmem:v17+s14+$0x0] =	vst.idx.msk $0xffff, v21;
	v17 =	vor.u32 $0x205, v0  }
0x1d4: {  	[tilespmem:v18+s14+$0x0] =	vst.idx.msk $0xffff, v21;
	v18 =	vor.u32 $0x206, v0  }
0x1d5: {  	[tilespmem:v19+s14+$0x0] =	vst.idx.msk $0xffff, v21;
	v19 =	vor.u32 $0x207, v0  }
0x1d6: {  	[tilespmem:v20+s14+$0x0] =	vst.idx.msk $0xffff, v21;
	v20 =	vor.u32 $0x208, v0  }
0x1d7: {  	[tilespmem:v22+s14+$0x0] =	vst.idx.msk $0xffff, v21;
	v22 =	vor.u32 $0x209, v0  }
0x1d8: {  	[tilespmem:v17+s14+$0x0] =	vst.idx.msk $0xffff, v21;
	v17 =	vor.u32 $0x20A, v0  }
0x1d9: {  	[tilespmem:v18+s14+$0x0] =	vst.idx.msk $0xffff, v21;
	v18 =	vor.u32 $0x20B, v0  }
0x1da: {  	[tilespmem:v19+s14+$0x0] =	vst.idx.msk $0xffff, v21;
	v19 =	vor.u32 $0x20C, v0  }
0x1db: {  	[tilespmem:v20+s14+$0x0] =	vst.idx.msk $0xffff, v21;
	v20 =	vor.u32 $0x20D, v0  }
0x1dc: {  	[tilespmem:v22+s14+$0x0] =	vst.idx.msk $0xffff, v21;
	v22 =	vor.u32 $0x20E, v0  }
0x1dd: {  	[tilespmem:v17+s14+$0x0] =	vst.idx.msk $0xffff, v21;
	v17 =	vor.u32 $0x20F, v0  }
0x1de: {  	[tilespmem:v18+s14+$0x0] =	vst.idx.msk $0xffff, v21  }
0x1df: {  	[tilespmem:v19+s14+$0x0] =	vst.idx.msk $0xffff, v21  }
0x1e0: {  	[tilespmem:v20+s14+$0x0] =	vst.idx.msk $0xffff, v21  }
0x1e1: {  	[tilespmem:v22+s14+$0x0] =	vst.idx.msk $0xffff, v21  }
0x1e2: {  	[tilespmem:v17+s14+$0x0] =	vst.idx.msk $0xffff, v21  }
0x1e3: {  	v17 =	vld [tilespmem:$0x79B0]  }
0x1e4: {  	v18 =	vld [tilespmem:$0x79F0];
	_ =	sdelay $0x1  }
0x1e5: {  	v19 =	vld [tilespmem:$0x7A30];
	_ =	sdelay $0x1  }
0x1e6: {  	v20 =	vld [tilespmem:$0x7A70]  }
0x1e7: {  	v17 =	vadd.f32 v18, v17  }
0x1e8: {  	v18 =	vld [tilespmem:$0x7AB0]  }
0x1e9: {  	v17 =	vadd.f32 v19, v17  }
0x1ea: {  	v19 =	vld [tilespmem:$0x7AF0]  }
0x1eb: {  	v17 =	vadd.f32 v20, v17  }
0x1ec: {  	v20 =	vld [tilespmem:$0x7B30]  }
0x1ed: {  	v17 =	vadd.f32 v18, v17  }
0x1ee: {  	v18 =	vld [tilespmem:$0x7B70]  }
0x1ef: {  	v17 =	vadd.f32 v19, v17  }
0x1f0: {  	v19 =	vld [tilespmem:$0x7BB0]  }
0x1f1: {  	v17 =	vadd.f32 v20, v17  }
0x1f2: {  	v20 =	vld [tilespmem:$0x7BF0]  }
0x1f3: {  	v17 =	vadd.f32 v18, v17  }
0x1f4: {  	v18 =	vld [tilespmem:$0x7C30]  }
0x1f5: {  	v17 =	vadd.f32 v19, v17  }
0x1f6: {  	v19 =	vld [tilespmem:$0x7C70]  }
0x1f7: {  	v17 =	vadd.f32 v20, v17  }
0x1f8: {  	v20 =	vld [tilespmem:$0x7CB0]  }
0x1f9: {  	v17 =	vadd.f32 v18, v17  }
0x1fa: {  	v18 =	vld [tilespmem:$0x7CF0]  }
0x1fb: {  	v17 =	vadd.f32 v19, v17  }
0x1fc: {  	v19 =	vld [tilespmem:$0x7D30]  }
0x1fd: {  	v17 =	vadd.f32 v20, v17  }
0x1fe: {  	v20 =	vld [tilespmem:$0x7D70]  }
0x1ff: {  	v17 =	vadd.f32 v18, v17;
	_ =	sdelay $0x1  }
0x200: {  	v17 =	vadd.f32 v19, v17;
	_ =	sdelay $0x1  }
0x201: {  	v17 =	vadd.f32 v20, v17;
	_ =	sdelay $0x1  }
0x202: {  	v17 =	vmax.f32 v17, $1.000000000e+00  }
0x203: {  	(erf) = vrcp.f32 v17;
	_ =	sdelay $0x4  }
0x204: {  	v17 =	vor.u32 $0x300, v0  }
0x205: {  	v18 =	vor.u32 $0x301, v0  }
0x206: {  	v19 =	vor.u32 $0x302, v0  }
0x207: {  	v20 =	vor.u32 $0x303, v0  }
0x208: {  	v22 =	vor.u32 $0x304, v0;
	v21 =	vpop (erf)  }
0x209: {  	[tilespmem:v17+s14+$0x0] =	vst.idx.msk $0xffff, v21;
	v17 =	vor.u32 $0x305, v0  }
0x20a: {  	[tilespmem:v18+s14+$0x0] =	vst.idx.msk $0xffff, v21;
	v18 =	vor.u32 $0x306, v0  }
0x20b: {  	[tilespmem:v19+s14+$0x0] =	vst.idx.msk $0xffff, v21;
	v19 =	vor.u32 $0x307, v0  }
0x20c: {  	[tilespmem:v20+s14+$0x0] =	vst.idx.msk $0xffff, v21;
	v20 =	vor.u32 $0x308, v0  }
0x20d: {  	[tilespmem:v22+s14+$0x0] =	vst.idx.msk $0xffff, v21;
	v22 =	vor.u32 $0x309, v0  }
0x20e: {  	[tilespmem:v17+s14+$0x0] =	vst.idx.msk $0xffff, v21;
	v17 =	vor.u32 $0x30A, v0  }
0x20f: {  	[tilespmem:v18+s14+$0x0] =	vst.idx.msk $0xffff, v21;
	v18 =	vor.u32 $0x30B, v0  }
0x210: {  	[tilespmem:v19+s14+$0x0] =	vst.idx.msk $0xffff, v21;
	v19 =	vor.u32 $0x30C, v0  }
0x211: {  	[tilespmem:v20+s14+$0x0] =	vst.idx.msk $0xffff, v21;
	v20 =	vor.u32 $0x30D, v0  }
0x212: {  	[tilespmem:v22+s14+$0x0] =	vst.idx.msk $0xffff, v21;
	v22 =	vor.u32 $0x30E, v0  }
0x213: {  	[tilespmem:v17+s14+$0x0] =	vst.idx.msk $0xffff, v21;
	v17 =	vor.u32 $0x30F, v0  }
0x214: {  	[tilespmem:v18+s14+$0x0] =	vst.idx.msk $0xffff, v21  }
0x215: {  	[tilespmem:v19+s14+$0x0] =	vst.idx.msk $0xffff, v21  }
0x216: {  	[tilespmem:v20+s14+$0x0] =	vst.idx.msk $0xffff, v21  }
0x217: {  	[tilespmem:v22+s14+$0x0] =	vst.idx.msk $0xffff, v21  }
0x218: {  	s6 =	simm.s32 $0x65A0;
	[tilespmem:v17+s14+$0x0] =	vst.idx.msk $0xffff, v21  }
0x219: {  	v17 =	vld [tilespmem:s6+$0xFFFFFFF0]  }
0x21a: {  	v19 =	vld [tilespmem:s6+$0x10]  }
0x21b: {  	s24 =	simm.s32 $0x0;
	v18 =	vld [tilespmem:s6+$0xFFFFFFE0]  }
0x21c: {  	v21 =	vld [tilespmem:s24+$0x7580]  }
0x21d: {  	v22 =	vld [tilespmem:s6+$0x0];
	_ =	sdelay $0x3  }
0x21e: {  	v18 =	vmul.f32 v18, v21;
	v20 =	vmul.f32 v19, v21  }
0x21f: {  	s16 =	simm.s32 $0x40;
	s17 =	simm.s32 $0x65A0;
	v19 =	vmul.f32 v17, v21;
	v17 =	vmul.f32 v22, v21  }
.LBB2_24:
0x220: {  	p1 =	sne.s32 s16, $0xFC0  }
0x221: {  	[tilespmem:s6+$0x10] =	vst v20;
	s17 =	sadd.s32 $0x40, s17;
	s18 =	smov.u32 s16;
	s16 =	sadd.s32 $0x40, s16  }
0x222: {  	v21 =	vld [tilespmem:s17+$0xFFFFFFF0];
	[tilespmem:s6+$0xFFFFFFE0] =	vst v18  }
0x223: {  	v20 =	vld [tilespmem:s17+$0x10];
	[tilespmem:s6+$0xFFFFFFF0] =	vst v19  }
0x224: {  	s18 =	sshra.s32 s18, $0x2;
	v18 =	vld [tilespmem:s17+$0xFFFFFFE0];
	[tilespmem:s6+$0x0] =	vst v17;
	s6 =	smov.u32 s17  }
0x225: {  	v17 =	vld [tilespmem:s18+$0x7580]  }
0x226: {  	v22 =	vld [tilespmem:s17+$0x0]  }
.Ltmp15:
0x227: {  	(pc) =	sbr.rel @p1 .LBB2_24-.Ltmp15, $3  }
0x228: {  	_ =	sdelay $0x1  }
0x229: {  	v18 =	vmul.f32 v18, v17;
	v20 =	vmul.f32 v20, v17  }
0x22a: {  	v19 =	vmul.f32 v21, v17;
	v17 =	vmul.f32 v22, v17  }
0x22b: {  	[tilespmem:s6+$0x10] =	vst v20  }
0x22c: {  	[tilespmem:s6+$0xFFFFFFE0] =	vst v18  }
0x22d: {  	[tilespmem:s6+$0xFFFFFFF0] =	vst v19  }
0x22e: {  	s18 =	rddreg [dreg:$0xf];
	[tilespmem:s6+$0x0] =	vst v17  }
0x22f: {  	[hbm4b:s18+s21] =	stream.strided.scatter [tilespmem:s20], [sflag:$0xB], $0x1000, s5, s21, $0x38;
	[tilespmem:$0xA9A0] =	vst v63  }
0x230: {  	_ =	swait.ge [sflag:s25], $0x1000  }
0x231: {  	s15 =	sadd.s32 $0x1, s15;
	s24 =	rddreg [dreg:$0x10]  }
0x232: {  	p1 =	sne.s32 s15, s24  }
.Ltmp16:
0x233: {  	_ = 	snop;
	(pc) =	sbr.rel @p1 .LBB2_1-.Ltmp16, $3  }
0x234: {  	_ =	sdelay $0x1  }
0x235: {  	[sflag:s25] =	ssyncset.done $0x0  }
0x236: {  	[sflag:s25] =	ssyncadd.s32 $0xFFFFF000  }
0x237: {  	_ =	sfence.sel $0x180000  }
0x238: {  	[bflag:$0x0] =	sbarrier.arrive $0xFFFF  }
0x239: {  	_ =	strace $0x90000047  }
0x23a: {  	[bflag:$0x2] =	sbarrier.arrive $0xFFFF  }
0x23b: {  	p0 =	sne.s32 s4, $0x0;
	s0 =	rddreg [dreg:$0x6]  }
0x23c: {  	s0 =	sadd.s32 @!p0 $0x100000, s0  }
0x23d: {  	[sflag:s0] =	ssyncadd.tile.s32 @!p0 $0x1;
	_ =	shalt  }
.Lfunc_end2:
_tile_overlayer_lowered:
.L_overlay_start_2:
0x23e: {  	(tag) =	ssettag $0x2  }
0x23f: {  	s0 =	rddreg [dreg:$0x0];
	s2 =	stileid.u32  }
0x240: {  	s1 =	rddreg [dreg:$0x1];
	p0 =	sne.s32 s2, $0x0  }
0x241: {  	s3 =	rddreg [dreg:$0x2];
	[bflag:$0x3] =	sbarrier.arrive $0xFFFF;
	s2 =	simm.s32 @!p0 $0x1C0B  }
0x242: {  	[timem:s3], [sflag:s2] =	dma.local @!p0 [hbm:s0], s1  }
0x243: {  	s0 =	simm.s32 @!p0 $0xB  }
0x244: {  	_ =	swait.ge @!p0 [sflag:s0], s1  }
0x245: {  	s1 =	ssub.s32 @!p0 $0x0, s1;
	[sflag:s0] =	ssyncset.done @!p0 $0x0  }
0x246: {  	[sflag:s0] =	ssyncadd.s32 @!p0 s1  }
0x247: {  	[bflag:$0x3] =	sbarrier.arrive $0xFFFF  }
0x248: {  	_ =	shalt  }

</sc_bundles>
